<compile_context>
chip_gen: v7x
topology: tpu7x:2x2x1
jax: 0.10.2.dev20260603
libtpu: 0.0.44.dev20260713+nightly
codegen_flags: <defaults>
</compile_context>

<pallas_src>
import functools

import jax
import jax.numpy as jnp
import numpy as np
from jax import lax
from jax.experimental import pallas as pl
from jax.experimental.pallas import tpu as pltpu
from jax.experimental.pallas import tpu_sc as plsc

N_GRAPH = 50
B_GRAPHS = 2000
N_PAIRS = N_GRAPH * (N_GRAPH - 1) // 2
P_PAD = 1232
N_NODES = 100000
ROW_BLK = 5000
N_ROW_BLKS = N_NODES // ROW_BLK
DEC_BLK = 400
QQ = N_GRAPH * N_GRAPH


_NC = 2
_NS = 16
_E = 1600000
_EW = _E // (_NC * _NS)
_GCH = 128
_GFULL = _EW // _GCH
_GTAIL = _EW - _GFULL * _GCH


def _make_gather(d):
    mesh = plsc.VectorSubcoreMesh(core_axis_name="c", subcore_axis_name="s")

    @functools.partial(
        pl.kernel,
        out_type=jax.ShapeDtypeStruct((_E, d), jnp.float32),
        mesh=mesh,
        compiler_params=pltpu.CompilerParams(use_tc_tiling_on_sc=False),
        scratch_types=[
            pltpu.VMEM((_EW,), jnp.int32),
            pltpu.VMEM((2, _GCH, d), jnp.float32),
            pltpu.SemaphoreType.DMA,
            pltpu.SemaphoreType.DMA,
            pltpu.SemaphoreType.DMA,
            pltpu.SemaphoreType.DMA,
        ],
    )
    def k(tab, srcs, out, sidx, rows, g0, g1, s0, s1):
        c = lax.axis_index("c")
        s = lax.axis_index("s")
        w = s * _NC + c
        ebase = w * _EW
        gsem = (g0, g1)
        ssem = (s0, s1)
        pltpu.sync_copy(srcs.at[pl.ds(ebase, _EW)], sidx)
        pltpu.async_copy(tab.at[sidx.at[pl.ds(0, _GCH)]], rows.at[0], g0)

        @pl.loop(0, _GFULL, step=2)
        def _(j0):
            for b in (0, 1):
                j = j0 + b
                nb = 1 - b

                @pl.when(jnp.logical_and(j >= 1, j + 1 < _GFULL))
                def _():
                    pltpu.make_async_copy(
                        rows.at[nb], out.at[pl.ds(ebase, _GCH)],
                        ssem[nb]).wait()

                @pl.when(j + 1 < _GFULL)
                def _():
                    pltpu.async_copy(
                        tab.at[sidx.at[pl.ds((j + 1) * _GCH, _GCH)]],
                        rows.at[nb], gsem[nb])

                pltpu.make_async_copy(
                    tab.at[sidx.at[pl.ds(j * _GCH, _GCH)]], rows.at[b],
                    gsem[b]).wait()
                pltpu.async_copy(rows.at[b],
                                 out.at[pl.ds(ebase + j * _GCH, _GCH)],
                                 ssem[b])

        pltpu.make_async_copy(rows.at[0], out.at[pl.ds(ebase, _GCH)],
                              s0).wait()
        pltpu.make_async_copy(rows.at[1], out.at[pl.ds(ebase, _GCH)],
                              s1).wait()
        tidx = sidx.at[pl.ds(_GFULL * _GCH, _GTAIL)]
        trow = rows.at[0].at[pl.ds(0, _GTAIL)]
        pltpu.async_copy(tab.at[tidx], trow, g0).wait()
        pltpu.sync_copy(trow, out.at[pl.ds(ebase + _GFULL * _GCH, _GTAIL)])

    return k


_gather16 = _make_gather(16)
_gather32 = _make_gather(32)


_POOL_ROWS = 3200
_N_POOL_PAD = _POOL_ROWS * _NC * _NS
_POOL_NCH = _POOL_ROWS // _GCH


def _pool_kernel():
    mesh = plsc.VectorSubcoreMesh(core_axis_name="c", subcore_axis_name="s")

    @functools.partial(
        pl.kernel,
        out_type=jax.ShapeDtypeStruct((_NC, 2048, 32), jnp.float32),
        mesh=mesh,
        scratch_types=[
            pltpu.VMEM_SHARED((2048, 32), jnp.float32),
            pltpu.VMEM((2, _GCH), jnp.int32),
            pltpu.VMEM((2, _GCH, 32), jnp.float32),
            pltpu.SemaphoreType.DMA,
            pltpu.SemaphoreType.DMA,
        ],
    )
    def k(h, bid, zeros, out, shared, bidx, rows, sem0, sem1):
        c = lax.axis_index("c")
        s = lax.axis_index("s")
        pltpu.sync_copy(zeros, shared.at[pl.ds(s * 128, 128)])
        plsc.subcore_barrier()

        w = c * _NS + s
        rbase = w * _POOL_ROWS
        sems = (sem0, sem1)
        pltpu.async_copy(h.at[pl.ds(rbase, _GCH)], rows.at[0], sem0)
        pltpu.sync_copy(bid.at[pl.ds(rbase, _GCH)], bidx.at[0])

        @pl.loop(0, _POOL_NCH, step=1)
        def _(j):
            b = jax.lax.rem(j, 2)
            @pl.when(b == 0)
            def _():
                _pool_step(h, bid, shared, bidx, rows, sems, rbase, j, 0, 1)

            @pl.when(b == 1)
            def _():
                _pool_step(h, bid, shared, bidx, rows, sems, rbase, j, 1, 0)

        plsc.subcore_barrier()
        pltpu.sync_copy(shared.at[pl.ds(s * 128, 128)],
                        out.at[c].at[pl.ds(s * 128, 128)])

    return k


def _pool_step(h, bid, shared, bidx, rows, sems, rbase, j, b, nb):
    @pl.when(j + 1 < _POOL_NCH)
    def _():
        pltpu.async_copy(h.at[pl.ds(rbase + (j + 1) * _GCH, _GCH)], rows.at[nb],
                         sems[nb])
        pltpu.sync_copy(bid.at[pl.ds(rbase + (j + 1) * _GCH, _GCH)],
                        bidx.at[nb])

    pltpu.make_async_copy(h.at[pl.ds(rbase, _GCH)], rows.at[b], sems[b]).wait()
    pltpu.sync_copy(rows.at[b], shared.at[bidx.at[b]], add=True)


_pool = _pool_kernel()


def _bdot(a, b):
    return jnp.dot(a.astype(jnp.bfloat16), b.astype(jnp.bfloat16),
                   preferred_element_type=jnp.float32)


def _mlp_a_body(z_ref, wa_ref, ba_ref, a_ref):
    a = _bdot(z_ref[...], wa_ref[...].T)
    a_ref[...] = jnp.maximum(a + ba_ref[0, :][None, :], 0.0)


def _mlp_a(z, wa, ba):
    d = z.shape[1]
    h = wa.shape[0]
    return pl.pallas_call(
        _mlp_a_body,
        grid=(N_ROW_BLKS,),
        in_specs=[
            pl.BlockSpec((ROW_BLK, d), lambda i: (i, 0)),
            pl.BlockSpec((h, d), lambda i: (0, 0)),
            pl.BlockSpec((1, h), lambda i: (0, 0)),
        ],
        out_specs=pl.BlockSpec((ROW_BLK, h), lambda i: (i, 0)),
        out_shape=jax.ShapeDtypeStruct((N_NODES, h), jnp.float32),
    )(z, wa, ba.reshape(1, -1))


def _mlp_b_body(a_ref, mu_ref, var_ref, g_ref, be_ref, wb_ref, bb_ref, h_ref):
    denom = jnp.sqrt(var_ref[0, :] + 1e-5)
    hn = (a_ref[...] - mu_ref[0, :][None, :]) / denom[None, :] * g_ref[0, :][None, :] + be_ref[0, :][None, :]
    h = _bdot(hn, wb_ref[...].T)
    h_ref[...] = jnp.maximum(h + bb_ref[0, :][None, :], 0.0)


def _mlp_b(a, mu, var, g, be, wb, bb):
    h = wb.shape[0]
    d = a.shape[1]
    return pl.pallas_call(
        _mlp_b_body,
        grid=(N_ROW_BLKS,),
        in_specs=[
            pl.BlockSpec((ROW_BLK, d), lambda i: (i, 0)),
            pl.BlockSpec((1, d), lambda i: (0, 0)),
            pl.BlockSpec((1, d), lambda i: (0, 0)),
            pl.BlockSpec((1, d), lambda i: (0, 0)),
            pl.BlockSpec((1, d), lambda i: (0, 0)),
            pl.BlockSpec((h, d), lambda i: (0, 0)),
            pl.BlockSpec((1, h), lambda i: (0, 0)),
        ],
        out_specs=pl.BlockSpec((ROW_BLK, h), lambda i: (i, 0)),
        out_shape=jax.ShapeDtypeStruct((N_NODES, h), jnp.float32),
    )(a, mu, var, g.reshape(1, -1), be.reshape(1, -1), wb, bb.reshape(1, -1))


def _dec_body(p0_ref, p1_ref, wd0_ref, bd0_ref, we_ref, wo_ref, g0_ref,
              g1_ref, out_ref, G_ref):
    @pl.when(pl.program_id(0) == 0)
    def _():
        r = jax.lax.broadcasted_iota(jnp.int32, (P_PAD, QQ), 0)
        q = jax.lax.broadcasted_iota(jnp.int32, (P_PAD, QQ), 1)
        i = q // N_GRAPH
        j = q % N_GRAPH
        lo = jnp.minimum(i, j)
        hi = jnp.maximum(i, j)
        p = lo * (2 * N_GRAPH - 1 - lo) // 2 + (hi - lo - 1)
        p = jnp.where(i == j, N_PAIRS, p)
        G_ref[...] = (r == p).astype(jnp.bfloat16)

    xg = p0_ref[...] + p1_ref[...]
    a = _bdot(xg, wd0_ref[...].T)
    a = jnp.maximum(a + bd0_ref[0, :][None, :], 0.0)
    z0 = _bdot(a, we_ref[...].T) + g0_ref[...]
    z1 = _bdot(a, wo_ref[...].T) + g1_ref[...]
    xv = (z0 >= z1).astype(jnp.bfloat16)
    out_ref[...] = jnp.dot(xv, G_ref[...], preferred_element_type=jnp.float32)


def _decoder(p0, p1, wd0, bd0, we, wo, g0, g1):
    return pl.pallas_call(
        _dec_body,
        grid=(B_GRAPHS // DEC_BLK,),
        in_specs=[
            pl.BlockSpec((DEC_BLK, 32), lambda i: (i, 0)),
            pl.BlockSpec((DEC_BLK, 32), lambda i: (i, 0)),
            pl.BlockSpec((32, 32), lambda i: (0, 0)),
            pl.BlockSpec((1, 32), lambda i: (0, 0)),
            pl.BlockSpec((P_PAD, 32), lambda i: (0, 0)),
            pl.BlockSpec((P_PAD, 32), lambda i: (0, 0)),
            pl.BlockSpec((DEC_BLK, P_PAD), lambda i: (i, 0)),
            pl.BlockSpec((DEC_BLK, P_PAD), lambda i: (i, 0)),
        ],
        out_specs=pl.BlockSpec((DEC_BLK, QQ), lambda i: (i, 0)),
        out_shape=jax.ShapeDtypeStruct((B_GRAPHS, QQ), jnp.float32),
        scratch_shapes=[pltpu.VMEM((P_PAD, QQ), jnp.bfloat16)],
    )(p0, p1, wd0, bd0.reshape(1, -1), we, wo, g0, g1)


_GUM = None


def _gumbel_pads(bd1):
    global _GUM
    if _GUM is None:
        u = jax.random.uniform(jax.random.key(42), (B_GRAPHS, N_PAIRS, 2),
                               minval=1e-10, maxval=1.0)
        gum = -jnp.log(-jnp.log(u))
        g0 = jnp.pad(gum[:, :, 0], ((0, 0), (0, P_PAD - N_PAIRS)),
                     constant_values=-1e30)
        g1 = jnp.pad(gum[:, :, 1], ((0, 0), (0, P_PAD - N_PAIRS)),
                     constant_values=0.0)
        _GUM = (g0, g1)
    g0, g1 = _GUM
    be = jnp.pad(bd1[0::2], (0, P_PAD - N_PAIRS))
    bo = jnp.pad(bd1[1::2], (0, P_PAD - N_PAIRS))
    return g0 + be[None, :], g1 + bo[None, :]


def kernel(x, edge_index, batch, W1a, b1a, g1, be1, W1b, b1b, W2a, b2a, g2,
           be2, W2b, b2b, Wd0, bd0, Wd1, bd1):
    src = edge_index[0]
    dst = edge_index[1]

    x16 = jnp.pad(x, ((0, 0), (0, 6)))
    W1a16 = jnp.pad(W1a, ((0, 0), (0, 6)))
    upd1 = _gather16(x16, src)
    agg = jax.ops.segment_sum(upd1, dst, num_segments=N_NODES)
    return jnp.zeros((B_GRAPHS, N_GRAPH, N_GRAPH), jnp.float32) + jnp.sum(agg)
    z1 = x16 + agg
    a1 = _mlp_a(z1, W1a16, b1a)
    a1x = jax.nn.relu(z1 @ W1a16.T + b1a)
    mu1 = jnp.mean(a1x, axis=0, keepdims=True)
    v1 = jnp.var(a1x, axis=0, keepdims=True)
    h1 = _mlp_b(a1, mu1, v1, g1, be1, W1b, b1b)

    upd2 = _gather32(h1, src)
    agg = jax.ops.segment_sum(upd2, dst, num_segments=N_NODES)
    z2 = h1 + agg
    a2 = _mlp_a(z2, W2a, b2a)
    a2x = jax.nn.relu(z2 @ W2a.T + b2a)
    mu2 = jnp.mean(a2x, axis=0, keepdims=True)
    v2 = jnp.var(a2x, axis=0, keepdims=True)
    h2 = _mlp_b(a2, mu2, v2, g2, be2, W2b, b2b)

    xg = jax.ops.segment_sum(h2, batch, num_segments=B_GRAPHS)
    return jnp.zeros((B_GRAPHS, N_GRAPH, N_GRAPH), jnp.float32) + jnp.sum(xg)

    we = jnp.pad(Wd1[0::2], ((0, P_PAD - N_PAIRS), (0, 0)))
    wo = jnp.pad(Wd1[1::2], ((0, P_PAD - N_PAIRS), (0, 0)))
    g0, g1g = _gumbel_pads(bd1)
    out = _decoder(xg, jnp.zeros_like(xg), Wd0, bd0, we, wo, g0, g1g)
    return out.reshape(B_GRAPHS, N_GRAPH, N_GRAPH)

# --- scband reference (transcript-rebuilt; emitter-appended) ---
"""Pipeline reference for scband-auto-encoder-57363583205482 (READ-ONLY COPY).

The authoritative reference and input builder live on the scoring server;
editing this copy changes nothing except your own understanding.
"""

import jax, jax.numpy as jnp
import numpy as np

N_GRAPH = 50
B_GRAPHS = 2000
OUT_DIM = 2 * N_GRAPH * (N_GRAPH - 1) // 2

def _bn(h, g, b):
    mu = jnp.mean(h, axis=0, keepdims=True)
    var = jnp.var(h, axis=0, keepdims=True)
    return (h - mu) / jnp.sqrt(var + 1e-5) * g + b

def _gin_mlp(h, Wa, ba, g, be, Wb, bb):
    h = jax.nn.relu(h @ Wa.T + ba)
    h = _bn(h, g, be)
    return jax.nn.relu(h @ Wb.T + bb)

def _forward(x, edge_index, batch, W1a, b1a, g1, be1, W1b, b1b, W2a, b2a, g2, be2, W2b, b2b, Wd0, bd0, Wd1, bd1):
    N = x.shape[0]
    src = edge_index[0]
    dst = edge_index[1]
    # GINConv layer 1: out = MLP((1+eps)*x + sum_{j->i} x_j), eps=0
    agg = jax.ops.segment_sum(x[src], dst, num_segments=N)
    h = _gin_mlp(x + agg, W1a, b1a, g1, be1, W1b, b1b)
    # GINConv layer 2
    agg = jax.ops.segment_sum(h[src], dst, num_segments=N)
    h = _gin_mlp(h + agg, W2a, b2a, g2, be2, W2b, b2b)
    # graph readout: scatter_add over batch ids
    x_g = jax.ops.segment_sum(h, batch, num_segments=B_GRAPHS)
    # Decoder MLP
    y = jax.nn.relu(x_g @ Wd0.T + bd0)
    y = y @ Wd1.T + bd1
    y = y.reshape(B_GRAPHS, -1, 2)
    # gumbel_softmax(tau=1, hard=True) with fixed noise key (straight-through)
    U = jax.random.uniform(jax.random.key(42), y.shape, minval=1e-10, maxval=1.0)
    gum = -jnp.log(-jnp.log(U))
    soft = jax.nn.softmax(y + gum, axis=-1)
    hard = jax.nn.one_hot(jnp.argmax(soft, axis=-1), 2, dtype=soft.dtype)
    out = hard + soft - jax.lax.stop_gradient(soft)
    xv = out[:, :, 0]
    i0, i1 = jnp.triu_indices(N_GRAPH, k=1)
    adj = jnp.zeros((B_GRAPHS, N_GRAPH, N_GRAPH), dtype=xv.dtype).at[:, i0, i1].set(xv)
    return adj + jnp.transpose(adj, (0, 2, 1))

def setup_inputs(seed: int = 0):
    key = jax.random.key(seed)
    ks = jax.random.split(key, 16)
    N = 100000; E = 1600000; D_IN = 10; H = 32
    inp = {}
    inp['x'] = jax.random.normal(ks[0], (N, D_IN), dtype=jnp.float32)
    inp['edge_index'] = jax.random.randint(ks[1], (2, E), 0, N, dtype=jnp.int32)
    inp['batch'] = jnp.sort(jax.random.randint(ks[2], (N,), 0, B_GRAPHS, dtype=jnp.int32))
    def lin(k, o, i):
        return jax.random.normal(k, (o, i), dtype=jnp.float32) / np.sqrt(i)
    inp['W1a'] = lin(ks[3], H, D_IN); inp['b1a'] = jnp.zeros((H,), jnp.float32)
    inp['g1'] = jnp.ones((H,), jnp.float32); inp['be1'] = jnp.zeros((H,), jnp.float32)
    inp['W1b'] = lin(ks[4], H, H); inp['b1b'] = jnp.zeros((H,), jnp.float32)
    inp['W2a'] = lin(ks[5], H, H); inp['b2a'] = jnp.zeros((H,), jnp.float32)
    inp['g2'] = jnp.ones((H,), jnp.float32); inp['be2'] = jnp.zeros((H,), jnp.float32)
    inp['W2b'] = lin(ks[6], H, H); inp['b2b'] = jnp.zeros((H,), jnp.float32)
    inp['Wd0'] = lin(ks[7], H, H); inp['bd0'] = jnp.zeros((H,), jnp.float32)
    inp['Wd1'] = lin(ks[8], OUT_DIM, H); inp['bd1'] = jnp.zeros((OUT_DIM,), jnp.float32)
    return inp

def reference(x, edge_index, batch, W1a, b1a, g1, be1, W1b, b1b, W2a, b2a, g2, be2, W2b, b2b, Wd0, bd0, Wd1, bd1):
    return _forward(x, edge_index, batch, W1a, b1a, g1, be1, W1b, b1b, W2a, b2a, g2, be2, W2b, b2b, Wd0, bd0, Wd1, bd1)

if __name__ == "__main__":
    import jax
    _d = setup_inputs()
    print(jax.jit(kernel)(*tuple(_d.values())))

</pallas_src>

<mosaic_0001>
#map = affine_map<(d0, d1) -> (0, 0)>
#map1 = affine_map<(d0, d1) -> (0)>
module attributes {stable_mosaic.version = 14 : i64} {
  func.func @k(%arg0: i32, %arg1: i32, %arg2: memref<100000x16xf32, #tpu.memory_space<hbm>>, %arg3: memref<1600000xi32, #tpu.memory_space<hbm>>, %arg4: memref<1600000x16xf32, #tpu.memory_space<hbm>>, %arg5: memref<50000xi32, #tpu.memory_space<vmem>>, %arg6: memref<2x128x16xf32, #tpu.memory_space<vmem>>, %arg7: memref<!tpu.dma_semaphore, #tpu.memory_space<semaphore_mem>>, %arg8: memref<!tpu.dma_semaphore, #tpu.memory_space<semaphore_mem>>, %arg9: memref<!tpu.dma_semaphore, #tpu.memory_space<semaphore_mem>>, %arg10: memref<!tpu.dma_semaphore, #tpu.memory_space<semaphore_mem>>) attributes {dimension_semantics = [#tpu.dimension_semantics<core_parallel>, #tpu.dimension_semantics<subcore_parallel>], iteration_bounds = array<i64: 2, 16>, scalar_prefetch = 0 : i64, scratch_operands = 6 : i64, tpu.core_type = #tpu.core_type<sc_vector_subcore>, window_params = [{transform_indices = #map}, {transform_indices = #map1}, {transform_indices = #map}]} {
    %mul3A = arith.constant 2 : i32
    %mul3A_0 = arith.muli %arg1, %mul3A : i32
    %add3A = arith.addi %mul3A_0, %arg0 : i32
    %mul3A_1 = arith.constant 50000 : i32
    %mul3A_2 = arith.muli %add3A, %mul3A_1 : i32
    "tpu.region"() ({
      %run_scoped3A_69 = tpu.sem_alloc : memref<!tpu.dma_semaphore, #tpu.memory_space<semaphore_mem>>
      %dma_start3A_70 = tpu.memref_slice %arg3[%mul3A_2] : memref<1600000xi32, #tpu.memory_space<hbm>> -> memref<50000xi32, #tpu.memory_space<hbm>>
      %dma_start3A_71 = tpu.memref_slice %arg3[%mul3A_2] : memref<1600000xi32, #tpu.memory_space<hbm>> -> memref<50000xi32, #tpu.memory_space<hbm>>
      tpu.enqueue_dma source(%dma_start3A_71 : memref<50000xi32, #tpu.memory_space<hbm>>) target(%arg5 : memref<50000xi32, #tpu.memory_space<vmem>>) target_semaphore(%run_scoped3A_69 : memref<!tpu.dma_semaphore, #tpu.memory_space<semaphore_mem>>)
      %dma_wait3A_72 = tpu.memref_slice %arg3[%mul3A_2] : memref<1600000xi32, #tpu.memory_space<hbm>> -> memref<50000xi32, #tpu.memory_space<hbm>>
      %dma_wait3A_73 = tpu.memref_slice %arg3[%mul3A_2] : memref<1600000xi32, #tpu.memory_space<hbm>> -> memref<50000xi32, #tpu.memory_space<hbm>>
      tpu.wait_dma2 semaphore(%run_scoped3A_69 : memref<!tpu.dma_semaphore, #tpu.memory_space<semaphore_mem>>) src(%dma_wait3A_73 : memref<50000xi32, #tpu.memory_space<hbm>>) dst(%arg5 : memref<50000xi32, #tpu.memory_space<vmem>>)
      tpu.yield
    }) : () -> ()
    %dma_start3A = arith.constant 0 : i32
    %dma_start3A_3 = arith.constant 0 : i32
    %dma_start3A_4 = arith.constant 0 : i32
    %dma_start3A_5 = tpu.memref_slice %arg6[%dma_start3A, %dma_start3A_3, %dma_start3A_4] : memref<2x128x16xf32, #tpu.memory_space<vmem>> -> memref<1x128x16xf32, #tpu.memory_space<vmem>>
    %dma_start3A_6 = tpu.memref_squeeze %dma_start3A_5 : memref<1x128x16xf32, #tpu.memory_space<vmem>> -> memref<128x16xf32, #tpu.memory_space<vmem>>
    %dma_start3A_7 = arith.constant 0 : i32
    %dma_start3A_8 = tpu.memref_slice %arg5[%dma_start3A_7] : memref<50000xi32, #tpu.memory_space<vmem>> -> memref<128xi32, #tpu.memory_space<vmem>>
    %dma_start3A_9 = arith.constant 0 : i32
    %dma_start3A_10 = arith.constant 0 : i32
    %dma_start3A_11 = tpu.memref_slice %arg2[%dma_start3A_9, %dma_start3A_10] : memref<100000x16xf32, #tpu.memory_space<hbm>> -> memref<100000x16xf32, #tpu.memory_space<hbm>>
    tpu.enqueue_indirect_dma source(%dma_start3A_11 : memref<100000x16xf32, #tpu.memory_space<hbm>>) target(%dma_start3A_6 : memref<128x16xf32, #tpu.memory_space<vmem>>) offsets(%dma_start3A_8 : memref<128xi32, #tpu.memory_space<vmem>>) semaphore(%arg7 : memref<!tpu.dma_semaphore, #tpu.memory_space<semaphore_mem>>)
    %scan3A = arith.constant 0 : i32
    %scan3A_12 = arith.constant 195 : i32
    %scan3A_13 = arith.addi %scan3A, %scan3A_12 : i32
    %scan3A_14 = arith.constant 1 : i32
    scf.for %scan3A_69 = %scan3A to %scan3A_13 step %scan3A_14  : i32 {
      %mul3A_70 = arith.constant 2 : i32
      %mul3A_71 = arith.muli %scan3A_69, %mul3A_70 : i32
      %add3A_72 = arith.constant 0 : i32
      %add3A_73 = arith.addi %add3A_72, %mul3A_71 : i32
      %add3A_74 = arith.constant 0 : i32
      %add3A_75 = arith.addi %add3A_73, %add3A_74 : i32
      %ge3A = arith.constant 1 : i32
      %ge3A_76 = arith.cmpi sge, %add3A_75, %ge3A : i32
      %add3A_77 = arith.constant 1 : i32
      %add3A_78 = arith.addi %add3A_75, %add3A_77 : i32
      %lt3A = arith.constant 390 : i32
      %lt3A_79 = arith.cmpi slt, %add3A_78, %lt3A : i32
      %and3A = arith.andi %ge3A_76, %lt3A_79 : i1
      %convert_element_type3A = arith.extui %and3A : i1 to i32
      %cond3A = arith.constant 0 : i32
      %cond3A_80 = arith.cmpi ne, %convert_element_type3A, %cond3A : i32
      scf.if %cond3A_80 {
        %dma_wait3A_161 = arith.constant 1 : i32
        %dma_wait3A_162 = arith.constant 0 : i32
        %dma_wait3A_163 = arith.constant 0 : i32
        %dma_wait3A_164 = tpu.memref_slice %arg6[%dma_wait3A_161, %dma_wait3A_162, %dma_wait3A_163] : memref<2x128x16xf32, #tpu.memory_space<vmem>> -> memref<1x128x16xf32, #tpu.memory_space<vmem>>
        %dma_wait3A_165 = tpu.memref_squeeze %dma_wait3A_164 : memref<1x128x16xf32, #tpu.memory_space<vmem>> -> memref<128x16xf32, #tpu.memory_space<vmem>>
        %dma_wait3A_166 = arith.constant 0 : i32
        %dma_wait3A_167 = tpu.memref_slice %arg4[%mul3A_2, %dma_wait3A_166] : memref<1600000x16xf32, #tpu.memory_space<hbm>> -> memref<128x16xf32, #tpu.memory_space<hbm>>
        %dma_wait3A_168 = arith.constant 0 : i32
        %dma_wait3A_169 = tpu.memref_slice %arg4[%mul3A_2, %dma_wait3A_168] : memref<1600000x16xf32, #tpu.memory_space<hbm>> -> memref<128x16xf32, #tpu.memory_space<hbm>>
        %dma_wait3A_170 = arith.constant 0 : i32
        %dma_wait3A_171 = arith.constant 0 : i32
        %dma_wait3A_172 = tpu.memref_slice %arg6[%dma_wait3A_161, %dma_wait3A_170, %dma_wait3A_171] : memref<2x128x16xf32, #tpu.memory_space<vmem>> -> memref<1x128x16xf32, #tpu.memory_space<vmem>>
        %dma_wait3A_173 = tpu.memref_squeeze %dma_wait3A_172 : memref<1x128x16xf32, #tpu.memory_space<vmem>> -> memref<128x16xf32, #tpu.memory_space<vmem>>
        tpu.wait_dma2 semaphore(%arg10 : memref<!tpu.dma_semaphore, #tpu.memory_space<semaphore_mem>>) src(%dma_wait3A_173 : memref<128x16xf32, #tpu.memory_space<vmem>>) dst(%dma_wait3A_169 : memref<128x16xf32, #tpu.memory_space<hbm>>)
      } else {
      }
      %add3A_81 = arith.constant 1 : i32
      %add3A_82 = arith.addi %add3A_75, %add3A_81 : i32
      %lt3A_83 = arith.constant 390 : i32
      %lt3A_84 = arith.cmpi slt, %add3A_82, %lt3A_83 : i32
      %convert_element_type3A_85 = arith.extui %lt3A_84 : i1 to i32
      %cond3A_86 = arith.constant 0 : i32
      %cond3A_87 = arith.cmpi ne, %convert_element_type3A_85, %cond3A_86 : i32
      scf.if %cond3A_87 {
        %add3A_161 = arith.constant 1 : i32
        %add3A_162 = arith.addi %add3A_75, %add3A_161 : i32
        %mul3A_163 = arith.constant 128 : i32
        %mul3A_164 = arith.muli %add3A_162, %mul3A_163 : i32
        %dma_start3A_165 = arith.constant 1 : i32
        %dma_start3A_166 = arith.constant 0 : i32
        %dma_start3A_167 = arith.constant 0 : i32
        %dma_start3A_168 = tpu.memref_slice %arg6[%dma_start3A_165, %dma_start3A_166, %dma_start3A_167] : memref<2x128x16xf32, #tpu.memory_space<vmem>> -> memref<1x128x16xf32, #tpu.memory_space<vmem>>
        %dma_start3A_169 = tpu.memref_squeeze %dma_start3A_168 : memref<1x128x16xf32, #tpu.memory_space<vmem>> -> memref<128x16xf32, #tpu.memory_space<vmem>>
        %dma_start3A_170 = tpu.memref_slice %arg5[%mul3A_164] : memref<50000xi32, #tpu.memory_space<vmem>> -> memref<128xi32, #tpu.memory_space<vmem>>
        %dma_start3A_171 = arith.constant 0 : i32
        %dma_start3A_172 = arith.constant 0 : i32
        %dma_start3A_173 = tpu.memref_slice %arg2[%dma_start3A_171, %dma_start3A_172] : memref<100000x16xf32, #tpu.memory_space<hbm>> -> memref<100000x16xf32, #tpu.memory_space<hbm>>
        tpu.enqueue_indirect_dma source(%dma_start3A_173 : memref<100000x16xf32, #tpu.memory_space<hbm>>) target(%dma_start3A_169 : memref<128x16xf32, #tpu.memory_space<vmem>>) offsets(%dma_start3A_170 : memref<128xi32, #tpu.memory_space<vmem>>) semaphore(%arg8 : memref<!tpu.dma_semaphore, #tpu.memory_space<semaphore_mem>>)
      } else {
      }
      %mul3A_88 = arith.constant 128 : i32
      %mul3A_89 = arith.muli %add3A_75, %mul3A_88 : i32
      %dma_wait3A_90 = arith.constant 0 : i32
      %dma_wait3A_91 = arith.constant 0 : i32
      %dma_wait3A_92 = arith.constant 0 : i32
      %dma_wait3A_93 = tpu.memref_slice %arg6[%dma_wait3A_90, %dma_wait3A_91, %dma_wait3A_92] : memref<2x128x16xf32, #tpu.memory_space<vmem>> -> memref<1x128x16xf32, #tpu.memory_space<vmem>>
      %dma_wait3A_94 = tpu.memref_squeeze %dma_wait3A_93 : memref<1x128x16xf32, #tpu.memory_space<vmem>> -> memref<128x16xf32, #tpu.memory_space<vmem>>
      %dma_wait3A_95 = tpu.memref_slice %arg5[%mul3A_89] : memref<50000xi32, #tpu.memory_space<vmem>> -> memref<128xi32, #tpu.memory_space<vmem>>
      %dma_wait3A_96 = arith.constant 0 : i32
      %dma_wait3A_97 = arith.constant 0 : i32
      %dma_wait3A_98 = tpu.memref_slice %arg2[%dma_wait3A_96, %dma_wait3A_97] : memref<100000x16xf32, #tpu.memory_space<hbm>> -> memref<100000x16xf32, #tpu.memory_space<hbm>>
      tpu.wait_indirect_dma semaphore(%arg7 : memref<!tpu.dma_semaphore, #tpu.memory_space<semaphore_mem>>) src(%dma_wait3A_98 : memref<100000x16xf32, #tpu.memory_space<hbm>>) dst(%dma_wait3A_94 : memref<128x16xf32, #tpu.memory_space<vmem>>)
      %mul3A_99 = arith.constant 128 : i32
      %mul3A_100 = arith.muli %add3A_75, %mul3A_99 : i32
      %add3A_101 = arith.addi %mul3A_2, %mul3A_100 : i32
      %dma_start3A_102 = arith.constant 0 : i32
      %dma_start3A_103 = arith.constant 0 : i32
      %dma_start3A_104 = arith.constant 0 : i32
      %dma_start3A_105 = tpu.memref_slice %arg6[%dma_start3A_102, %dma_start3A_103, %dma_start3A_104] : memref<2x128x16xf32, #tpu.memory_space<vmem>> -> memref<1x128x16xf32, #tpu.memory_space<vmem>>
      %dma_start3A_106 = tpu.memref_squeeze %dma_start3A_105 : memref<1x128x16xf32, #tpu.memory_space<vmem>> -> memref<128x16xf32, #tpu.memory_space<vmem>>
      %dma_start3A_107 = arith.constant 0 : i32
      %dma_start3A_108 = tpu.memref_slice %arg4[%add3A_101, %dma_start3A_107] : memref<1600000x16xf32, #tpu.memory_space<hbm>> -> memref<128x16xf32, #tpu.memory_space<hbm>>
      %dma_start3A_109 = arith.constant 0 : i32
      %dma_start3A_110 = tpu.memref_slice %arg4[%add3A_101, %dma_start3A_109] : memref<1600000x16xf32, #tpu.memory_space<hbm>> -> memref<128x16xf32, #tpu.memory_space<hbm>>
      %dma_start3A_111 = arith.constant 0 : i32
      %dma_start3A_112 = arith.constant 0 : i32
      %dma_start3A_113 = tpu.memref_slice %arg6[%dma_start3A_102, %dma_start3A_111, %dma_start3A_112] : memref<2x128x16xf32, #tpu.memory_space<vmem>> -> memref<1x128x16xf32, #tpu.memory_space<vmem>>
      %dma_start3A_114 = tpu.memref_squeeze %dma_start3A_113 : memref<1x128x16xf32, #tpu.memory_space<vmem>> -> memref<128x16xf32, #tpu.memory_space<vmem>>
      tpu.enqueue_dma source(%dma_start3A_114 : memref<128x16xf32, #tpu.memory_space<vmem>>) target(%dma_start3A_110 : memref<128x16xf32, #tpu.memory_space<hbm>>) target_semaphore(%arg9 : memref<!tpu.dma_semaphore, #tpu.memory_space<semaphore_mem>>)
      %add3A_115 = arith.constant 1 : i32
      %add3A_116 = arith.addi %add3A_73, %add3A_115 : i32
      %ge3A_117 = arith.constant 1 : i32
      %ge3A_118 = arith.cmpi sge, %add3A_116, %ge3A_117 : i32
      %add3A_119 = arith.constant 1 : i32
      %add3A_120 = arith.addi %add3A_116, %add3A_119 : i32
      %lt3A_121 = arith.constant 390 : i32
      %lt3A_122 = arith.cmpi slt, %add3A_120, %lt3A_121 : i32
      %and3A_123 = arith.andi %ge3A_118, %lt3A_122 : i1
      %convert_element_type3A_124 = arith.extui %and3A_123 : i1 to i32
      %cond3A_125 = arith.constant 0 : i32
      %cond3A_126 = arith.cmpi ne, %convert_element_type3A_124, %cond3A_125 : i32
      scf.if %cond3A_126 {
        %dma_wait3A_161 = arith.constant 0 : i32
        %dma_wait3A_162 = arith.constant 0 : i32
        %dma_wait3A_163 = arith.constant 0 : i32
        %dma_wait3A_164 = tpu.memref_slice %arg6[%dma_wait3A_161, %dma_wait3A_162, %dma_wait3A_163] : memref<2x128x16xf32, #tpu.memory_space<vmem>> -> memref<1x128x16xf32, #tpu.memory_space<vmem>>
        %dma_wait3A_165 = tpu.memref_squeeze %dma_wait3A_164 : memref<1x128x16xf32, #tpu.memory_space<vmem>> -> memref<128x16xf32, #tpu.memory_space<vmem>>
        %dma_wait3A_166 = arith.constant 0 : i32
        %dma_wait3A_167 = tpu.memref_slice %arg4[%mul3A_2, %dma_wait3A_166] : memref<1600000x16xf32, #tpu.memory_space<hbm>> -> memref<128x16xf32, #tpu.memory_space<hbm>>
        %dma_wait3A_168 = arith.constant 0 : i32
        %dma_wait3A_169 = tpu.memref_slice %arg4[%mul3A_2, %dma_wait3A_168] : memref<1600000x16xf32, #tpu.memory_space<hbm>> -> memref<128x16xf32, #tpu.memory_space<hbm>>
        %dma_wait3A_170 = arith.constant 0 : i32
        %dma_wait3A_171 = arith.constant 0 : i32
        %dma_wait3A_172 = tpu.memref_slice %arg6[%dma_wait3A_161, %dma_wait3A_170, %dma_wait3A_171] : memref<2x128x16xf32, #tpu.memory_space<vmem>> -> memref<1x128x16xf32, #tpu.memory_space<vmem>>
        %dma_wait3A_173 = tpu.memref_squeeze %dma_wait3A_172 : memref<1x128x16xf32, #tpu.memory_space<vmem>> -> memref<128x16xf32, #tpu.memory_space<vmem>>
        tpu.wait_dma2 semaphore(%arg9 : memref<!tpu.dma_semaphore, #tpu.memory_space<semaphore_mem>>) src(%dma_wait3A_173 : memref<128x16xf32, #tpu.memory_space<vmem>>) dst(%dma_wait3A_169 : memref<128x16xf32, #tpu.memory_space<hbm>>)
      } else {
      }
      %add3A_127 = arith.constant 1 : i32
      %add3A_128 = arith.addi %add3A_116, %add3A_127 : i32
      %lt3A_129 = arith.constant 390 : i32
      %lt3A_130 = arith.cmpi slt, %add3A_128, %lt3A_129 : i32
      %convert_element_type3A_131 = arith.extui %lt3A_130 : i1 to i32
      %cond3A_132 = arith.constant 0 : i32
      %cond3A_133 = arith.cmpi ne, %convert_element_type3A_131, %cond3A_132 : i32
      scf.if %cond3A_133 {
        %add3A_161 = arith.constant 1 : i32
        %add3A_162 = arith.addi %add3A_116, %add3A_161 : i32
        %mul3A_163 = arith.constant 128 : i32
        %mul3A_164 = arith.muli %add3A_162, %mul3A_163 : i32
        %dma_start3A_165 = arith.constant 0 : i32
        %dma_start3A_166 = arith.constant 0 : i32
        %dma_start3A_167 = arith.constant 0 : i32
        %dma_start3A_168 = tpu.memref_slice %arg6[%dma_start3A_165, %dma_start3A_166, %dma_start3A_167] : memref<2x128x16xf32, #tpu.memory_space<vmem>> -> memref<1x128x16xf32, #tpu.memory_space<vmem>>
        %dma_start3A_169 = tpu.memref_squeeze %dma_start3A_168 : memref<1x128x16xf32, #tpu.memory_space<vmem>> -> memref<128x16xf32, #tpu.memory_space<vmem>>
        %dma_start3A_170 = tpu.memref_slice %arg5[%mul3A_164] : memref<50000xi32, #tpu.memory_space<vmem>> -> memref<128xi32, #tpu.memory_space<vmem>>
        %dma_start3A_171 = arith.constant 0 : i32
        %dma_start3A_172 = arith.constant 0 : i32
        %dma_start3A_173 = tpu.memref_slice %arg2[%dma_start3A_171, %dma_start3A_172] : memref<100000x16xf32, #tpu.memory_space<hbm>> -> memref<100000x16xf32, #tpu.memory_space<hbm>>
        tpu.enqueue_indirect_dma source(%dma_start3A_173 : memref<100000x16xf32, #tpu.memory_space<hbm>>) target(%dma_start3A_169 : memref<128x16xf32, #tpu.memory_space<vmem>>) offsets(%dma_start3A_170 : memref<128xi32, #tpu.memory_space<vmem>>) semaphore(%arg7 : memref<!tpu.dma_semaphore, #tpu.memory_space<semaphore_mem>>)
      } else {
      }
      %mul3A_134 = arith.constant 128 : i32
      %mul3A_135 = arith.muli %add3A_116, %mul3A_134 : i32
      %dma_wait3A_136 = arith.constant 1 : i32
      %dma_wait3A_137 = arith.constant 0 : i32
      %dma_wait3A_138 = arith.constant 0 : i32
      %dma_wait3A_139 = tpu.memref_slice %arg6[%dma_wait3A_136, %dma_wait3A_137, %dma_wait3A_138] : memref<2x128x16xf32, #tpu.memory_space<vmem>> -> memref<1x128x16xf32, #tpu.memory_space<vmem>>
      %dma_wait3A_140 = tpu.memref_squeeze %dma_wait3A_139 : memref<1x128x16xf32, #tpu.memory_space<vmem>> -> memref<128x16xf32, #tpu.memory_space<vmem>>
      %dma_wait3A_141 = tpu.memref_slice %arg5[%mul3A_135] : memref<50000xi32, #tpu.memory_space<vmem>> -> memref<128xi32, #tpu.memory_space<vmem>>
      %dma_wait3A_142 = arith.constant 0 : i32
      %dma_wait3A_143 = arith.constant 0 : i32
      %dma_wait3A_144 = tpu.memref_slice %arg2[%dma_wait3A_142, %dma_wait3A_143] : memref<100000x16xf32, #tpu.memory_space<hbm>> -> memref<100000x16xf32, #tpu.memory_space<hbm>>
      tpu.wait_indirect_dma semaphore(%arg8 : memref<!tpu.dma_semaphore, #tpu.memory_space<semaphore_mem>>) src(%dma_wait3A_144 : memref<100000x16xf32, #tpu.memory_space<hbm>>) dst(%dma_wait3A_140 : memref<128x16xf32, #tpu.memory_space<vmem>>)
      %mul3A_145 = arith.constant 128 : i32
      %mul3A_146 = arith.muli %add3A_116, %mul3A_145 : i32
      %add3A_147 = arith.addi %mul3A_2, %mul3A_146 : i32
      %dma_start3A_148 = arith.constant 1 : i32
      %dma_start3A_149 = arith.constant 0 : i32
      %dma_start3A_150 = arith.constant 0 : i32
      %dma_start3A_151 = tpu.memref_slice %arg6[%dma_start3A_148, %dma_start3A_149, %dma_start3A_150] : memref<2x128x16xf32, #tpu.memory_space<vmem>> -> memref<1x128x16xf32, #tpu.memory_space<vmem>>
      %dma_start3A_152 = tpu.memref_squeeze %dma_start3A_151 : memref<1x128x16xf32, #tpu.memory_space<vmem>> -> memref<128x16xf32, #tpu.memory_space<vmem>>
      %dma_start3A_153 = arith.constant 0 : i32
      %dma_start3A_154 = tpu.memref_slice %arg4[%add3A_147, %dma_start3A_153] : memref<1600000x16xf32, #tpu.memory_space<hbm>> -> memref<128x16xf32, #tpu.memory_space<hbm>>
      %dma_start3A_155 = arith.constant 0 : i32
      %dma_start3A_156 = tpu.memref_slice %arg4[%add3A_147, %dma_start3A_155] : memref<1600000x16xf32, #tpu.memory_space<hbm>> -> memref<128x16xf32, #tpu.memory_space<hbm>>
      %dma_start3A_157 = arith.constant 0 : i32
      %dma_start3A_158 = arith.constant 0 : i32
      %dma_start3A_159 = tpu.memref_slice %arg6[%dma_start3A_148, %dma_start3A_157, %dma_start3A_158] : memref<2x128x16xf32, #tpu.memory_space<vmem>> -> memref<1x128x16xf32, #tpu.memory_space<vmem>>
      %dma_start3A_160 = tpu.memref_squeeze %dma_start3A_159 : memref<1x128x16xf32, #tpu.memory_space<vmem>> -> memref<128x16xf32, #tpu.memory_space<vmem>>
      tpu.enqueue_dma source(%dma_start3A_160 : memref<128x16xf32, #tpu.memory_space<vmem>>) target(%dma_start3A_156 : memref<128x16xf32, #tpu.memory_space<hbm>>) target_semaphore(%arg10 : memref<!tpu.dma_semaphore, #tpu.memory_space<semaphore_mem>>)
    }
    %scan3A_15 = arith.constant 195 : i32
    %dma_wait3A = arith.constant 0 : i32
    %dma_wait3A_16 = arith.constant 0 : i32
    %dma_wait3A_17 = arith.constant 0 : i32
    %dma_wait3A_18 = tpu.memref_slice %arg6[%dma_wait3A, %dma_wait3A_16, %dma_wait3A_17] : memref<2x128x16xf32, #tpu.memory_space<vmem>> -> memref<1x128x16xf32, #tpu.memory_space<vmem>>
    %dma_wait3A_19 = tpu.memref_squeeze %dma_wait3A_18 : memref<1x128x16xf32, #tpu.memory_space<vmem>> -> memref<128x16xf32, #tpu.memory_space<vmem>>
    %dma_wait3A_20 = arith.constant 0 : i32
    %dma_wait3A_21 = tpu.memref_slice %arg4[%mul3A_2, %dma_wait3A_20] : memref<1600000x16xf32, #tpu.memory_space<hbm>> -> memref<128x16xf32, #tpu.memory_space<hbm>>
    %dma_wait3A_22 = arith.constant 0 : i32
    %dma_wait3A_23 = tpu.memref_slice %arg4[%mul3A_2, %dma_wait3A_22] : memref<1600000x16xf32, #tpu.memory_space<hbm>> -> memref<128x16xf32, #tpu.memory_space<hbm>>
    %dma_wait3A_24 = arith.constant 0 : i32
    %dma_wait3A_25 = arith.constant 0 : i32
    %dma_wait3A_26 = tpu.memref_slice %arg6[%dma_wait3A, %dma_wait3A_24, %dma_wait3A_25] : memref<2x128x16xf32, #tpu.memory_space<vmem>> -> memref<1x128x16xf32, #tpu.memory_space<vmem>>
    %dma_wait3A_27 = tpu.memref_squeeze %dma_wait3A_26 : memref<1x128x16xf32, #tpu.memory_space<vmem>> -> memref<128x16xf32, #tpu.memory_space<vmem>>
    tpu.wait_dma2 semaphore(%arg9 : memref<!tpu.dma_semaphore, #tpu.memory_space<semaphore_mem>>) src(%dma_wait3A_27 : memref<128x16xf32, #tpu.memory_space<vmem>>) dst(%dma_wait3A_23 : memref<128x16xf32, #tpu.memory_space<hbm>>)
    %dma_wait3A_28 = arith.constant 1 : i32
    %dma_wait3A_29 = arith.constant 0 : i32
    %dma_wait3A_30 = arith.constant 0 : i32
    %dma_wait3A_31 = tpu.memref_slice %arg6[%dma_wait3A_28, %dma_wait3A_29, %dma_wait3A_30] : memref<2x128x16xf32, #tpu.memory_space<vmem>> -> memref<1x128x16xf32, #tpu.memory_space<vmem>>
    %dma_wait3A_32 = tpu.memref_squeeze %dma_wait3A_31 : memref<1x128x16xf32, #tpu.memory_space<vmem>> -> memref<128x16xf32, #tpu.memory_space<vmem>>
    %dma_wait3A_33 = arith.constant 0 : i32
    %dma_wait3A_34 = tpu.memref_slice %arg4[%mul3A_2, %dma_wait3A_33] : memref<1600000x16xf32, #tpu.memory_space<hbm>> -> memref<128x16xf32, #tpu.memory_space<hbm>>
    %dma_wait3A_35 = arith.constant 0 : i32
    %dma_wait3A_36 = tpu.memref_slice %arg4[%mul3A_2, %dma_wait3A_35] : memref<1600000x16xf32, #tpu.memory_space<hbm>> -> memref<128x16xf32, #tpu.memory_space<hbm>>
    %dma_wait3A_37 = arith.constant 0 : i32
    %dma_wait3A_38 = arith.constant 0 : i32
    %dma_wait3A_39 = tpu.memref_slice %arg6[%dma_wait3A_28, %dma_wait3A_37, %dma_wait3A_38] : memref<2x128x16xf32, #tpu.memory_space<vmem>> -> memref<1x128x16xf32, #tpu.memory_space<vmem>>
    %dma_wait3A_40 = tpu.memref_squeeze %dma_wait3A_39 : memref<1x128x16xf32, #tpu.memory_space<vmem>> -> memref<128x16xf32, #tpu.memory_space<vmem>>
    tpu.wait_dma2 semaphore(%arg10 : memref<!tpu.dma_semaphore, #tpu.memory_space<semaphore_mem>>) src(%dma_wait3A_40 : memref<128x16xf32, #tpu.memory_space<vmem>>) dst(%dma_wait3A_36 : memref<128x16xf32, #tpu.memory_space<hbm>>)
    %dma_start3A_41 = arith.constant 0 : i32
    %dma_start3A_42 = arith.constant 0 : i32
    %dma_start3A_43 = arith.constant 0 : i32
    %dma_start3A_44 = tpu.memref_slice %arg6[%dma_start3A_41, %dma_start3A_42, %dma_start3A_43] : memref<2x128x16xf32, #tpu.memory_space<vmem>> -> memref<1x128x16xf32, #tpu.memory_space<vmem>>
    %dma_start3A_45 = tpu.memref_squeeze %dma_start3A_44 : memref<1x128x16xf32, #tpu.memory_space<vmem>> -> memref<128x16xf32, #tpu.memory_space<vmem>>
    %dma_start3A_46 = arith.constant 0 : i32
    %dma_start3A_47 = arith.constant 0 : i32
    %dma_start3A_48 = tpu.memref_slice %dma_start3A_45[%dma_start3A_46, %dma_start3A_47] : memref<128x16xf32, #tpu.memory_space<vmem>> -> memref<80x16xf32, #tpu.memory_space<vmem>>
    %dma_start3A_49 = arith.constant 49920 : i32
    %dma_start3A_50 = tpu.memref_slice %arg5[%dma_start3A_49] : memref<50000xi32, #tpu.memory_space<vmem>> -> memref<80xi32, #tpu.memory_space<vmem>>
    %dma_start3A_51 = arith.constant 0 : i32
    %dma_start3A_52 = arith.constant 0 : i32
    %dma_start3A_53 = tpu.memref_slice %arg2[%dma_start3A_51, %dma_start3A_52] : memref<100000x16xf32, #tpu.memory_space<hbm>> -> memref<100000x16xf32, #tpu.memory_space<hbm>>
    tpu.enqueue_indirect_dma source(%dma_start3A_53 : memref<100000x16xf32, #tpu.memory_space<hbm>>) target(%dma_start3A_48 : memref<80x16xf32, #tpu.memory_space<vmem>>) offsets(%dma_start3A_50 : memref<80xi32, #tpu.memory_space<vmem>>) semaphore(%arg7 : memref<!tpu.dma_semaphore, #tpu.memory_space<semaphore_mem>>)
    %dma_wait3A_54 = arith.constant 0 : i32
    %dma_wait3A_55 = arith.constant 0 : i32
    %dma_wait3A_56 = arith.constant 0 : i32
    %dma_wait3A_57 = tpu.memref_slice %arg6[%dma_wait3A_54, %dma_wait3A_55, %dma_wait3A_56] : memref<2x128x16xf32, #tpu.memory_space<vmem>> -> memref<1x128x16xf32, #tpu.memory_space<vmem>>
    %dma_wait3A_58 = tpu.memref_squeeze %dma_wait3A_57 : memref<1x128x16xf32, #tpu.memory_space<vmem>> -> memref<128x16xf32, #tpu.memory_space<vmem>>
    %dma_wait3A_59 = arith.constant 0 : i32
    %dma_wait3A_60 = arith.constant 0 : i32
    %dma_wait3A_61 = tpu.memref_slice %dma_wait3A_58[%dma_wait3A_59, %dma_wait3A_60] : memref<128x16xf32, #tpu.memory_space<vmem>> -> memref<80x16xf32, #tpu.memory_space<vmem>>
    %dma_wait3A_62 = arith.constant 49920 : i32
    %dma_wait3A_63 = tpu.memref_slice %arg5[%dma_wait3A_62] : memref<50000xi32, #tpu.memory_space<vmem>> -> memref<80xi32, #tpu.memory_space<vmem>>
    %dma_wait3A_64 = arith.constant 0 : i32
    %dma_wait3A_65 = arith.constant 0 : i32
    %dma_wait3A_66 = tpu.memref_slice %arg2[%dma_wait3A_64, %dma_wait3A_65] : memref<100000x16xf32, #tpu.memory_space<hbm>> -> memref<100000x16xf32, #tpu.memory_space<hbm>>
    tpu.wait_indirect_dma semaphore(%arg7 : memref<!tpu.dma_semaphore, #tpu.memory_space<semaphore_mem>>) src(%dma_wait3A_66 : memref<100000x16xf32, #tpu.memory_space<hbm>>) dst(%dma_wait3A_61 : memref<80x16xf32, #tpu.memory_space<vmem>>)
    %add3A_67 = arith.constant 49920 : i32
    %add3A_68 = arith.addi %mul3A_2, %add3A_67 : i32
    %run_scoped3A = arith.constant 0 : i32
    "tpu.region"() ({
      %run_scoped3A_69 = tpu.sem_alloc : memref<!tpu.dma_semaphore, #tpu.memory_space<semaphore_mem>>
      %dma_start3A_70 = arith.constant 0 : i32
      %dma_start3A_71 = arith.constant 0 : i32
      %dma_start3A_72 = tpu.memref_slice %arg6[%run_scoped3A, %dma_start3A_70, %dma_start3A_71] : memref<2x128x16xf32, #tpu.memory_space<vmem>> -> memref<1x128x16xf32, #tpu.memory_space<vmem>>
      %dma_start3A_73 = tpu.memref_squeeze %dma_start3A_72 : memref<1x128x16xf32, #tpu.memory_space<vmem>> -> memref<128x16xf32, #tpu.memory_space<vmem>>
      %dma_start3A_74 = arith.constant 0 : i32
      %dma_start3A_75 = arith.constant 0 : i32
      %dma_start3A_76 = tpu.memref_slice %dma_start3A_73[%dma_start3A_74, %dma_start3A_75] : memref<128x16xf32, #tpu.memory_space<vmem>> -> memref<80x16xf32, #tpu.memory_space<vmem>>
      %dma_start3A_77 = arith.constant 0 : i32
      %dma_start3A_78 = tpu.memref_slice %arg4[%add3A_68, %dma_start3A_77] : memref<1600000x16xf32, #tpu.memory_space<hbm>> -> memref<80x16xf32, #tpu.memory_space<hbm>>
      %dma_start3A_79 = arith.constant 0 : i32
      %dma_start3A_80 = tpu.memref_slice %arg4[%add3A_68, %dma_start3A_79] : memref<1600000x16xf32, #tpu.memory_space<hbm>> -> memref<80x16xf32, #tpu.memory_space<hbm>>
      %dma_start3A_81 = arith.constant 0 : i32
      %dma_start3A_82 = arith.constant 0 : i32
      %dma_start3A_83 = tpu.memref_slice %arg6[%run_scoped3A, %dma_start3A_81, %dma_start3A_82] : memref<2x128x16xf32, #tpu.memory_space<vmem>> -> memref<1x128x16xf32, #tpu.memory_space<vmem>>
      %dma_start3A_84 = tpu.memref_squeeze %dma_start3A_83 : memref<1x128x16xf32, #tpu.memory_space<vmem>> -> memref<128x16xf32, #tpu.memory_space<vmem>>
      %dma_start3A_85 = arith.constant 0 : i32
      %dma_start3A_86 = arith.constant 0 : i32
      %dma_start3A_87 = tpu.memref_slice %dma_start3A_84[%dma_start3A_85, %dma_start3A_86] : memref<128x16xf32, #tpu.memory_space<vmem>> -> memref<80x16xf32, #tpu.memory_space<vmem>>
      tpu.enqueue_dma source(%dma_start3A_87 : memref<80x16xf32, #tpu.memory_space<vmem>>) target(%dma_start3A_80 : memref<80x16xf32, #tpu.memory_space<hbm>>) target_semaphore(%run_scoped3A_69 : memref<!tpu.dma_semaphore, #tpu.memory_space<semaphore_mem>>)
      %dma_wait3A_88 = arith.constant 0 : i32
      %dma_wait3A_89 = arith.constant 0 : i32
      %dma_wait3A_90 = tpu.memref_slice %arg6[%run_scoped3A, %dma_wait3A_88, %dma_wait3A_89] : memref<2x128x16xf32, #tpu.memory_space<vmem>> -> memref<1x128x16xf32, #tpu.memory_space<vmem>>
      %dma_wait3A_91 = tpu.memref_squeeze %dma_wait3A_90 : memref<1x128x16xf32, #tpu.memory_space<vmem>> -> memref<128x16xf32, #tpu.memory_space<vmem>>
      %dma_wait3A_92 = arith.constant 0 : i32
      %dma_wait3A_93 = arith.constant 0 : i32
      %dma_wait3A_94 = tpu.memref_slice %dma_wait3A_91[%dma_wait3A_92, %dma_wait3A_93] : memref<128x16xf32, #tpu.memory_space<vmem>> -> memref<80x16xf32, #tpu.memory_space<vmem>>
      %dma_wait3A_95 = arith.constant 0 : i32
      %dma_wait3A_96 = tpu.memref_slice %arg4[%add3A_68, %dma_wait3A_95] : memref<1600000x16xf32, #tpu.memory_space<hbm>> -> memref<80x16xf32, #tpu.memory_space<hbm>>
      %dma_wait3A_97 = arith.constant 0 : i32
      %dma_wait3A_98 = tpu.memref_slice %arg4[%add3A_68, %dma_wait3A_97] : memref<1600000x16xf32, #tpu.memory_space<hbm>> -> memref<80x16xf32, #tpu.memory_space<hbm>>
      %dma_wait3A_99 = arith.constant 0 : i32
      %dma_wait3A_100 = arith.constant 0 : i32
      %dma_wait3A_101 = tpu.memref_slice %arg6[%run_scoped3A, %dma_wait3A_99, %dma_wait3A_100] : memref<2x128x16xf32, #tpu.memory_space<vmem>> -> memref<1x128x16xf32, #tpu.memory_space<vmem>>
      %dma_wait3A_102 = tpu.memref_squeeze %dma_wait3A_101 : memref<1x128x16xf32, #tpu.memory_space<vmem>> -> memref<128x16xf32, #tpu.memory_space<vmem>>
      %dma_wait3A_103 = arith.constant 0 : i32
      %dma_wait3A_104 = arith.constant 0 : i32
      %dma_wait3A_105 = tpu.memref_slice %dma_wait3A_102[%dma_wait3A_103, %dma_wait3A_104] : memref<128x16xf32, #tpu.memory_space<vmem>> -> memref<80x16xf32, #tpu.memory_space<vmem>>
      tpu.wait_dma2 semaphore(%run_scoped3A_69 : memref<!tpu.dma_semaphore, #tpu.memory_space<semaphore_mem>>) src(%dma_wait3A_105 : memref<80x16xf32, #tpu.memory_space<vmem>>) dst(%dma_wait3A_98 : memref<80x16xf32, #tpu.memory_space<hbm>>)
      tpu.yield
    }) : () -> ()
    return
  }
}

</mosaic_0001>

<sc_bundles>
// kernel: kernel.3.cloned.1.call-start
scs
__scs_entry_jumppad:
0x0: {  	(pc) =	sbr.rel $0x88, $3  }
0x1: {  	(tag) =	ssettag $0x0;
	lr =	simm.s32 $0x1  }
0x2: {  	[smem:$0x3F9F] =	sst lr;
	_ =	strace $0xD0000000  }
0x3: {  	_ = 	snop  }
0x4: {  	_ = 	snop  }
0x5: {  	_ = 	snop  }
0x6: {  	_ = 	snop  }
0x7: {  	_ = 	snop  }
__scs_overlays_trampoline_lowered:
0x8: {  	[smem:$0x3FAE] =	sst s0  }
0x9: {  	[smem:$0x3FAF] =	sst s1  }
0xa: {  	[smem:$0x3FB0] =	sst s2  }
0xb: {  	[smem:$0x3FB1] =	sst s3  }
0xc: {  	[smem:$0x3FB2] =	sst s4  }
0xd: {  	[smem:$0x3FB3] =	sst s5  }
0xe: {  	[smem:$0x3FB4] =	sst s6  }
0xf: {  	[smem:$0x3FB5] =	sst s7  }
0x10: {  	[smem:$0x3FB6] =	sst s8  }
0x11: {  	[smem:$0x3FB7] =	sst s9;
	s0 =	simm.s32 @!p0 $0x0  }
0x12: {  	s1 =	sld [smem:$0x3F9D];
	s0 =	simm.s32 @p0 $0x1  }
0x13: {  	[smem:$0x3FB8] =	sst s0;
	s0 =	simm.s32 @!p1 $0x0  }
0x14: {  	s2 =	sld [smem:$0x3F9C];
	s0 =	simm.s32 @p1 $0x1  }
0x15: {  	[smem:$0x3FB9] =	sst s0;
	s0 =	simm.s32 @!p2 $0x0  }
0x16: {  	s3 =	sld [smem:$0x3FDB];
	s0 =	simm.s32 @p2 $0x1  }
0x17: {  	s4 =	simm.s32 $0x1BF5;
	[smem:$0x3FBB] =	sst s0  }
0x18: {  	s0 =	sld [smem:$0x3F9E];
	_ =	swait.ge [sflag:s4], $0x0  }
0x19: {  	s7 =	sld [smem:$0x3F9F]  }
0x1a: {  	s8 =	sadd.s32 $0xFFFFE003, lr  }
0x1b: {  	s9 =	sadd.s32 $0xFFFFFEF7, lr;
	s5 =	simm.s32 $0xFFFFFFFF;
	p2 =	slt.u32 s8, $0xFFFFF086  }
0x1c: {  	p1 =	slt.u32 s9, $0xF7A;
	s5 =	simm.s32 @!p2 $0x0  }
0x1d: {  	s5 =	simm.s32 @p1 $0x1;
	p0 =	seq.s32 s7, s2  }
0x1e: {  	s7 =	smul.u32 @!p0 $0xF7A, s2;
	p2 =	seq.s32 @!p0 s5, $0x0  }
0x1f: {  	s9 =	smul.u32 $0xF7A, s1;
	s8 =	simm.s32 @!p0 $0x1BF5;
	p2 =	por !p2, p0  }
0x20: {  	[sflag:s8] =	ssyncset.s32 @!p0 $0xFFFFF086;
	s6 =	sadd.s32 @!p0 s3, s7;
	s7 =	simm.s32 @!p0 $0x108  }
0x21: {  	s3 =	sadd.s32 s3, s9;
	s6 =	sadd.s32 @!p0 $0x88, s6;
	s7 =	simm.s32 @p2 $0x1082  }
0x22: {  	[simem:s7], [sflag:s8] =	dma.local @!p0 [hbm:s6], $0xF7A  }
0x23: {  	s9 =	sor.u32 $0xD0000000, s2;
	s6 =	simm.s32 $0x108;
	_ =	swait.ge @!p0 [sflag:s8], $0x0  }
0x24: {  	s3 =	sadd.s32 $0x88, s3;
	s6 =	simm.s32 @!p1 $0x1082;
	[sflag:s4] =	ssyncset.s32 $0xFFFFF086  }
0x25: {  	[simem:s6], [sflag:s4] =	dma.local [hbm:s3], $0xF7A  }
0x26: {  	[smem:$0x3F9F] =	sst s1;
	(tag) =	ssettag s2;
	_ =	strace s9  }
0x27: {  	s1 =	sld [smem:$0x3FAF]  }
0x28: {  	s2 =	sld [smem:$0x3FB0]  }
0x29: {  	s4 =	sld [smem:$0x3FB2]  }
0x2a: {  	p0 =	seq.s32 s5, $0x0;
	s5 =	sld [smem:$0x3FB3]  }
0x2b: {  	s6 =	sld [smem:$0x3FB4]  }
0x2c: {  	s7 =	sld [smem:$0x3FB5]  }
0x2d: {  	s3 =	simm.s32 $0x108;
	s8 =	sld [smem:$0x3FB6]  }
0x2e: {  	s3 =	simm.s32 @!p0 $0x1082;
	s9 =	sld [smem:$0x3FB7]  }
0x2f: {  	lr =	sadd.s32 s0, s3;
	s0 =	sld [smem:$0x3FAE]  }
0x30: {  	s3 =	sld [smem:$0x3FB1]  }
0x31: {  	[smem:$0x3FBA] =	sst s10  }
0x32: {  	s10 =	sld [smem:$0x3FB8];
	_ =	sdelay $0x3  }
0x33: {  	p0 =	seq.s32 s10, $0x1;
	s10 =	sld [smem:$0x3FBA];
	_ =	sdelay $0x3  }
0x34: {  	[smem:$0x3FBA] =	sst s10  }
0x35: {  	s10 =	sld [smem:$0x3FB9];
	_ =	sdelay $0x3  }
0x36: {  	p1 =	seq.s32 s10, $0x1;
	s10 =	sld [smem:$0x3FBA];
	_ =	sdelay $0x3  }
0x37: {  	[smem:$0x3FBA] =	sst s10  }
0x38: {  	s10 =	sld [smem:$0x3FBB]  }
0x39: {  	_ = 	snop;
	(pc) =	sbr.ind lr, $3  }
0x3a: {  	_ = 	snop  }
0x3b: {  	_ = 	snop  }
0x3c: {  	p2 =	seq.s32 s10, $0x1;
	s10 =	sld [smem:$0x3FBA]  }
0x3d: {  	_ =	shalt  }
0x3e: {  	_ =	shalt  }
0x3f: {  	_ =	shalt  }
0x40: {  	_ =	shalt  }
0x41: {  	_ =	shalt  }
0x42: {  	_ =	shalt  }
0x43: {  	_ =	shalt  }
0x44: {  	_ =	shalt  }
0x45: {  	_ =	shalt  }
0x46: {  	_ =	shalt  }
0x47: {  	_ =	shalt  }
0x48: {  	_ =	shalt  }
0x49: {  	_ =	shalt  }
0x4a: {  	_ =	shalt  }
0x4b: {  	_ =	shalt  }
0x4c: {  	_ =	shalt  }
0x4d: {  	_ =	shalt  }
0x4e: {  	_ =	shalt  }
0x4f: {  	_ =	shalt  }
0x50: {  	_ =	shalt  }
0x51: {  	_ =	shalt  }
0x52: {  	_ =	shalt  }
0x53: {  	_ =	shalt  }
0x54: {  	_ =	shalt  }
0x55: {  	_ =	shalt  }
0x56: {  	_ =	shalt  }
0x57: {  	_ =	shalt  }
0x58: {  	_ =	shalt  }
0x59: {  	_ =	shalt  }
0x5a: {  	_ =	shalt  }
0x5b: {  	_ =	shalt  }
0x5c: {  	_ =	shalt  }
0x5d: {  	_ =	shalt  }
0x5e: {  	_ =	shalt  }
0x5f: {  	_ =	shalt  }
0x60: {  	_ =	shalt  }
0x61: {  	_ =	shalt  }
0x62: {  	_ =	shalt  }
0x63: {  	_ =	shalt  }
0x64: {  	_ =	shalt  }
0x65: {  	_ =	shalt  }
0x66: {  	_ =	shalt  }
0x67: {  	_ =	shalt  }
0x68: {  	_ =	shalt  }
0x69: {  	_ =	shalt  }
0x6a: {  	_ =	shalt  }
0x6b: {  	_ =	shalt  }
0x6c: {  	_ =	shalt  }
0x6d: {  	_ =	shalt  }
0x6e: {  	_ =	shalt  }
0x6f: {  	_ =	shalt  }
0x70: {  	_ =	shalt  }
0x71: {  	_ =	shalt  }
0x72: {  	_ =	shalt  }
0x73: {  	_ =	shalt  }
0x74: {  	_ =	shalt  }
0x75: {  	_ =	shalt  }
0x76: {  	_ =	shalt  }
0x77: {  	_ =	shalt  }
0x78: {  	_ =	shalt  }
0x79: {  	_ =	shalt  }
0x7a: {  	_ =	shalt  }
0x7b: {  	_ =	shalt  }
0x7c: {  	_ =	shalt  }
0x7d: {  	_ =	shalt  }
0x7e: {  	_ =	shalt  }
0x7f: {  	_ =	shalt  }
0x80: {  	_ =	shalt  }
0x81: {  	_ =	shalt  }
0x82: {  	_ =	shalt  }
0x83: {  	_ =	shalt  }
0x84: {  	_ =	shalt  }
0x85: {  	_ =	shalt  }
0x86: {  	_ =	shalt  }
0x87: {  	_ =	shalt  }
.Lfunc_end0:
.L_simem_size_0:
called_computation.1_lowered:
.L_overlay_start_0:
0x88: {  	s2 =	sld [smem:$0x3FD9]  }
0x89: {  	s3 =	sld [smem:$0x3FFE];
	_ =	sdelay $0x1  }
0x8a: {  	s1 =	srdreg.scid  }
0x8b: {  	s0 =	sand.u32 $0x1, s1  }
0x8c: {  	s17 =	sshll.u32 s0, $0xA;
	s2 =	sadd.s32 s3, s2  }
0x8d: {  	s2 =	sadd.s32 s2, s17  }
0x8e: {  	[smem:$0x3FC6] =	sst s2  }
0x8f: {  	_ = 	snop  }
0x90: {  	s2 =	sld [smem:$0x3FD0];
	(tm) =	ssettm $0x1  }
0x91: {  	s18 =	sld [smem:$0x3FFB];
	_ =	sdelay $0x3  }
0x92: {  	_ =	strace s18  }
0x93: {  	s3 =	sld [smem:$0x3FFC];
	_ =	sdelay $0x3  }
0x94: {  	_ =	strace s3  }
0x95: {  	s3 =	sld [smem:$0x3FFD];
	_ =	sdelay $0x3  }
0x96: {  	_ =	strace s3  }
0x97: {  	_ =	strace $0x8FFFFFFF  }
0x98: {  	s19 =	sld [smem:$0x3FDB];
	_ =	sdelay $0x1  }
0x99: {  	s4 =	simm.s32 $_scs_section_size  }
0x9a: {  	s5 =	simm.s32 $_size__tile_overlayer_lowered;
	s6 =	simm.s32 $_tile_overlayer_lowered  }
0x9b: {  	s22 =	simm.s32 $0x1BFF;
	s21 =	sshll.u32 s6, $0x1;
	s3 =	sadd.s32 s4, s19  }
0x9c: {  	s7 =	simm.s32 $0x0;
	s20 =	sshll.u32 s5, $0x1;
	s5 =	sadd.s32 s21, s3  }
0x9d: {  	[timem:s7], [sflag:s22] =	dma.local [hbm:s5], s20  }
0x9e: {  	_ =	swait.ge [sflag:s22], s20  }
0x9f: {  	s4 =	ssub.s32 $0x0, s20;
	[sflag:s22] =	ssyncset.done $0x0  }
0xa0: {  	[sflag:s22] =	ssyncadd.s32 s4;
	_ =	sdelay $0x1  }
0xa1: {  	s23 =	simm.s32 $0x1B8B  }
0xa2: {  	_ =	swait.ge [sflag:s23], $0x1  }
0xa3: {  	[sflag:s23] =	ssyncset.done $0x0  }
0xa4: {  	s25 =	simm.s32 $0x1B8E;
	s24 =	sld [smem:$0x3FFE];
	[sflag:s23] =	ssyncadd.s32 $0xFFFFFFFF  }
0xa5: {  	s26 =	simm.s32 $execute0_lowered;
	[smem:$0x3FD2] =	sst s25  }
0xa6: {  	s5 =	sshll.u32 s26, $0x1;
	_ =	strace $0x80000046;
	[dreg:$0x1] =	wrdreg $0xFFFFFFFF  }
0xa7: {  	s28 =	simm.s32 $_size_execute0_lowered;
	s3 =	sadd.s32 s3, s5;
	[dreg:$0x0] =	wrdreg $0x0  }
0xa8: {  	s5 =	sshll.u32 s28, $0x1;
	[dreg:$0x2] =	wrdreg s3  }
0xa9: {  	[dreg:$0x3] =	wrdreg s5  }
0xaa: {  	[dreg:$0x4] =	wrdreg $0xC0  }
0xab: {  	_ =	task [dreg:s7], $0x5FFFF  }
0xac: {  	[dreg:$0x1] =	wrdreg $0xFFFFFFFF  }
0xad: {  	[dreg:$0x0] =	wrdreg $0x60  }
0xae: {  	[dreg:$0x2] =	wrdreg s24  }
0xaf: {  	[dreg:$0x3] =	wrdreg s2  }
0xb0: {  	[dreg:$0x4] =	wrdreg $0x9  }
0xb1: {  	_ =	task.clear_ibuf [dreg:s7], $0x5FFFF;
	_ =	strace $0x90000046  }
0xb2: {  	s29 =	simm.s32 $0x9;
	_ =	strace $0x80000048  }
0xb3: {  	_ =	swait.ge [sflag:s29], $0x1  }
0xb4: {  	[sflag:s29] =	ssyncadd.s32 $0xFFFFFFFF  }
0xb5: {  	_ =	strace $0x90000048  }
0xb6: {  	_ =	sfence  }
0xb7: {  	s30 =	sld [smem:$0x0];
	_ =	sdelay $0x2  }
0xb8: {  	s31 =	sshll.u32 s1, $0xD;
	s1 =	sshrl.u32 s1, $0x2  }
0xb9: {  	s3 =	sand.u32 $0x4000, s31;
	s1 =	sadd.s32 s1, s30  }
0xba: {  	s0 =	sor.u32 s3, s0;
	s1 =	sshll.u32 s1, $0x11  }
0xbb: {  	s0 =	sor.u32 s1, s0  }
0xbc: {  	s0 =	sadd.s32 $0x8F2B, s0  }
0xbd: {  	[sflag:s0] =	ssyncadd.remote.s32 $0x1  }
0xbe: {  	_ =	sfence.sel $0xFFFF  }
0xbf: {  	[dreg:$0x0] =	wrdreg $0xFFFFFFFF;
	(pc) =	sbr.abs _section_cstart, $3  }
0xc0: {  	[dreg:$0x1] =	wrdreg $0xFFFFFFFF  }
0xc1: {  	_ =	task.clear_ibuf [dreg:s7], $0x2FFFF;
	_ =	strace $0x9FFFFFFF  }
0xc2: {  	(tm) =	ssettm $0x7FFFFFFF  }
0xc3: {  	_ =	shalt  }
tec
execute0_lowered:
.L_overlay_start_1:
0x0: {  	(tag) =	ssettag $0x1  }
0x1: {  	s4 =	rddreg [dreg:$0x0]  }
0x2: {  	s1 =	srdreg.scid;
	s0 =	stileid.u32  }
0x3: {  	s6 =	rddreg [dreg:$0x1];
	s2 =	simm.s32 $0x0;
	s14 =	simm.s32 $0x5  }
0x4: {  	s15 =	simm.s32 $0x80;
	s16 =	simm.s32 $0xC350;
	s17 =	simm.s32 $0xCB50  }
0x5: {  	s18 =	simm.s32 $0x1;
	s19 =	simm.s32 $0x3;
	s20 =	simm.s32 $0x100  }
0x6: {  	s21 =	simm.s32 $0x2;
	s22 =	simm.s32 $0x4;
	s23 =	simm.s32 $0xC280  }
0x7: {  	s24 =	simm.s32 $0x50;
	s25 =	simm.s32 $0xC300;
	s26 =	simm.s32 $0x0  }
0x8: {  	s5 =	sand.u32 $0x1, s1;
	s3 =	sshll.u32 s0, $0x1;
	s10 =	smul.u32 $0x186A00, s0  }
0x9: {  	[smem:$0x7FF] =	sst s2;
	s3 =	sor.u32 s5, s3;
	s12 =	smul.u32 $0xC3500, s5  }
0xa: {  	_ =	strace $0x80000047;
	s9 =	ssub.s32 $0x2, s5;
	s7 =	smul.u32 $0x186A, s3  }
0xb: {  	s8 =	smul.u32 $0xC3500, s3;
	s3 =	sadd.s32 $0x61C00, s4;
	s11 =	sshrl.u32 s9, $0x1  }
0xc: {  	s4 =	sadd.s32 $0x30E00, s4;
	s9 =	ssub.s32 s9, s11;
	s12 =	sadd.s32 s12, s10  }
0xd: {  	s8 =	sshrl.u32 s8, $0x3;
	s6 =	sadd.s32 s6, s7;
	s13 =	sadd.s32 $0x1800, s12  }
0xe: {  	s12 =	sadd.s32 $0x1000, s12;
	s5 =	sadd.s32 s3, s8;
	s8 =	smax.u32 s9, $0x1  }
0xf: {  	s13 =	sshrl.u32 s13, $0x3;
	s7 =	sadd.s32 $0x18600, s5;
	s9 =	sadd.s32 $0x100, s5  }
0x10: {  	s10 =	sadd.s32 $0x18400, s5;
	s11 =	sadd.s32 $0x18500, s5;
	s13 =	sadd.s32 s13, s3  }
.LBB2_1:
0x11: {  	[tilespmem:s2], [sflag:$0x5] =	stream.linear.gather [hbm4b:s6+s2], $0xC350, $0x38;
	[tilespmem:$0xD350] =	vst v63  }
0x12: {  	_ =	swait.ge [sflag:s14], $0xC350  }
0x13: {  	[sflag:s14] =	ssyncset.done $0x0  }
0x14: {  	[sflag:s14] =	ssyncadd.s32 $0xFFFF3CB0  }
0x15: {  	[tilespmem:s16], [sflag:$0x1] =	stream.indirect.gather [hbm4b:s4+s15], $0x10, s2, s15, $0xb8;
	[tilespmem:$0xD350] =	vst v63  }
0x16: {  	_ = 	snop  }
0x17: {  	[tilespmem:s17], [sflag:$0x2] =	stream.indirect.gather [hbm4b:s4+s15], $0x10, s15, s15, $0xb8;
	[tilespmem:$0xD350] =	vst v63  }
0x18: {  	_ =	swait.ge [sflag:s18], $0x800  }
0x19: {  	[sflag:s18] =	ssyncset.done $0x0  }
0x1a: {  	[sflag:s18] =	ssyncadd.s32 $0xFFFFF800  }
0x1b: {  	[hbm4b:s5+s2] =	stream.linear.scatter [tilespmem:s16], [sflag:$0x3], $0x800, $0x38;
	[tilespmem:$0xD350] =	vst v63  }
0x1c: {  	_ =	swait.ge [sflag:s19], $0x800  }
0x1d: {  	[sflag:s19] =	ssyncset.done $0x0  }
0x1e: {  	[sflag:s19] =	ssyncadd.s32 $0xFFFFF800  }
0x1f: {  	[tilespmem:s16], [sflag:$0x1] =	stream.indirect.gather [hbm4b:s4+s15], $0x10, s20, s15, $0xb8;
	[tilespmem:$0xD350] =	vst v63  }
0x20: {  	_ =	swait.ge [sflag:s21], $0x800  }
0x21: {  	[sflag:s21] =	ssyncset.done $0x0  }
0x22: {  	[sflag:s21] =	ssyncadd.s32 $0xFFFFF800  }
0x23: {  	[hbm4b:s9+s2] =	stream.linear.scatter [tilespmem:s17], [sflag:$0x4], $0x800, $0x38;
	[tilespmem:$0xD350] =	vst v63  }
0x24: {  	_ =	swait.ge [sflag:s22], $0x800  }
0x25: {  	[sflag:s22] =	ssyncset.done $0x0  }
0x26: {  	s28 =	simm.s32 $0x180;
	[sflag:s22] =	ssyncadd.s32 $0xFFFFF800  }
0x27: {  	[tilespmem:s17], [sflag:$0x2] =	stream.indirect.gather [hbm4b:s4+s15], $0x10, s28, s15, $0xb8;
	[tilespmem:$0xD350] =	vst v63  }
0x28: {  	_ =	swait.ge [sflag:s18], $0x800  }
0x29: {  	s28 =	sshrl.u32 s12, $0x3;
	[sflag:s18] =	ssyncset.done $0x0  }
0x2a: {  	s28 =	sadd.s32 s3, s28;
	[sflag:s18] =	ssyncadd.s32 $0xFFFFF800  }
0x2b: {  	[hbm4b:s28+s2] =	stream.linear.scatter [tilespmem:s16], [sflag:$0x3], $0x800, $0x38;
	[tilespmem:$0xD350] =	vst v63  }
0x2c: {  	_ =	swait.ge [sflag:s19], $0x800  }
0x2d: {  	[sflag:s19] =	ssyncset.done $0x0  }
0x2e: {  	s28 =	simm.s32 $0x200;
	[sflag:s19] =	ssyncadd.s32 $0xFFFFF800  }
0x2f: {  	[tilespmem:s16], [sflag:$0x1] =	stream.indirect.gather [hbm4b:s4+s15], $0x10, s28, s15, $0xb8;
	[tilespmem:$0xD350] =	vst v63  }
0x30: {  	_ =	swait.ge [sflag:s21], $0x800  }
0x31: {  	s29 =	sadd.s32 $0x1000, s12;
	s31 =	sadd.s32 $0x0, s13;
	[sflag:s21] =	ssyncset.done $0x0  }
0x32: {  	s30 =	simm.s32 $0x300;
	s28 =	simm.s32 $0x200;
	[sflag:s21] =	ssyncadd.s32 $0xFFFFF800  }
.LBB2_2:
0x33: {  	[hbm4b:s31+s2] =	stream.linear.scatter [tilespmem:s17], [sflag:$0x4], $0x800, $0x38;
	[tilespmem:$0xD350] =	vst v63  }
0x34: {  	s31 =	smov.u32 s28  }
0x35: {  	p0 =	sne.s32 s28, $0x18000;
	s28 =	sadd.s32 $0x200, s28;
	_ =	swait.ge [sflag:s22], $0x800  }
0x36: {  	[sflag:s22] =	ssyncset.done $0x0  }
0x37: {  	s1 =	sadd.s32 $0xFFFFFF80, s30;
	[sflag:s22] =	ssyncadd.s32 $0xFFFFF800  }
0x38: {  	[tilespmem:s17], [sflag:$0x2] =	stream.indirect.gather [hbm4b:s4+s15], $0x10, s1, s15, $0xb8;
	[tilespmem:$0xD350] =	vst v63  }
0x39: {  	_ =	swait.ge [sflag:s18], $0x800  }
0x3a: {  	s1 =	sshrl.u32 s29, $0x3;
	[sflag:s18] =	ssyncset.done $0x0  }
0x3b: {  	s1 =	sadd.s32 s3, s1;
	[sflag:s18] =	ssyncadd.s32 $0xFFFFF800  }
0x3c: {  	[hbm4b:s1+s2] =	stream.linear.scatter [tilespmem:s16], [sflag:$0x3], $0x800, $0x38;
	[tilespmem:$0xD350] =	vst v63  }
0x3d: {  	_ =	swait.ge [sflag:s19], $0x800  }
0x3e: {  	[sflag:s19] =	ssyncset.done $0x0  }
.Ltmp0:
0x3f: {  	[sflag:s19] =	ssyncadd.s32 $0xFFFFF800;
	(pc) =	sbr.rel @p0 .LBB2_2-.Ltmp0, $4  }
0x40: {  	[tilespmem:s16], [sflag:$0x1] =	stream.indirect.gather [hbm4b:s4+s15], $0x10, s30, s15, $0xb8;
	[tilespmem:$0xD350] =	vst v63  }
0x41: {  	_ =	swait.ge [sflag:s21], $0x800  }
0x42: {  	s29 =	sadd.s32 $0x1000, s29;
	[sflag:s21] =	ssyncset.done $0x0  }
0x43: {  	s31 =	sadd.s32 s31, s13;
	s30 =	sadd.s32 $0x100, s30;
	[sflag:s21] =	ssyncadd.s32 $0xFFFFF800  }
0x44: {  	[hbm4b:s31+s2] =	stream.linear.scatter [tilespmem:s17], [sflag:$0x4], $0x800, $0x38;
	[tilespmem:$0xD350] =	vst v63  }
0x45: {  	_ =	swait.ge [sflag:s22], $0x800  }
0x46: {  	[sflag:s22] =	ssyncset.done $0x0  }
0x47: {  	[sflag:s22] =	ssyncadd.s32 $0xFFFFF800  }
0x48: {  	[tilespmem:s17], [sflag:$0x2] =	stream.indirect.gather [hbm4b:s4+s15], $0x10, s23, s15, $0xb8;
	[tilespmem:$0xD350] =	vst v63  }
0x49: {  	_ =	swait.ge [sflag:s18], $0x800  }
0x4a: {  	[sflag:s18] =	ssyncset.done $0x0  }
0x4b: {  	[sflag:s18] =	ssyncadd.s32 $0xFFFFF800  }
0x4c: {  	[hbm4b:s10+s2] =	stream.linear.scatter [tilespmem:s16], [sflag:$0x3], $0x800, $0x38;
	[tilespmem:$0xD350] =	vst v63  }
0x4d: {  	_ =	swait.ge [sflag:s21], $0x800  }
0x4e: {  	[sflag:s21] =	ssyncset.done $0x0  }
0x4f: {  	[sflag:s21] =	ssyncadd.s32 $0xFFFFF800  }
0x50: {  	[hbm4b:s11+s2] =	stream.linear.scatter [tilespmem:s17], [sflag:$0x4], $0x800, $0x38;
	[tilespmem:$0xD350] =	vst v63  }
0x51: {  	_ =	swait.ge [sflag:s19], $0x800  }
0x52: {  	[sflag:s19] =	ssyncset.done $0x0  }
0x53: {  	[sflag:s19] =	ssyncadd.s32 $0xFFFFF800  }
0x54: {  	_ =	swait.ge [sflag:s22], $0x800  }
0x55: {  	[sflag:s22] =	ssyncset.done $0x0  }
0x56: {  	[sflag:s22] =	ssyncadd.s32 $0xFFFFF800  }
0x57: {  	[tilespmem:s16], [sflag:$0x1] =	stream.indirect.gather [hbm4b:s4+s24], $0x10, s25, s24, $0xb8;
	[tilespmem:$0xD350] =	vst v63  }
0x58: {  	s26 =	sadd.s32 $0x1, s26;
	_ =	swait.ge [sflag:s18], $0x500  }
0x59: {  	p0 =	sne.s32 s26, s8;
	[sflag:s18] =	ssyncset.done $0x0  }
.Ltmp1:
0x5a: {  	[sflag:s18] =	ssyncadd.s32 $0xFFFFFB00;
	(pc) =	sbr.rel @p0 .LBB2_1-.Ltmp1, $4  }
0x5b: {  	[hbm4b:s7+s2] =	stream.linear.scatter [tilespmem:s16], [sflag:$0x5], $0x500, $0x38;
	[tilespmem:$0xD350] =	vst v63  }
0x5c: {  	_ =	swait.ge [sflag:s14], $0x500  }
0x5d: {  	[sflag:s14] =	ssyncset.done $0x0  }
0x5e: {  	[sflag:s14] =	ssyncadd.s32 $0xFFFFFB00  }
0x5f: {  	_ =	sfence.sel $0x180000  }
0x60: {  	[bflag:$0x0] =	sbarrier.arrive $0xFFFF  }
0x61: {  	_ =	strace $0x90000047  }
0x62: {  	[bflag:$0x2] =	sbarrier.arrive $0xFFFF  }
0x63: {  	p0 =	sne.s32 s0, $0x0;
	s0 =	rddreg [dreg:$0x2]  }
0x64: {  	s0 =	sadd.s32 @!p0 $0x100000, s0  }
0x65: {  	[sflag:s0] =	ssyncadd.tile.s32 @!p0 $0x1;
	_ =	shalt  }
.Lfunc_end2:
_tile_overlayer_lowered:
.L_overlay_start_2:
0x66: {  	(tag) =	ssettag $0x2  }
0x67: {  	s0 =	rddreg [dreg:$0x0];
	s2 =	stileid.u32  }
0x68: {  	s1 =	rddreg [dreg:$0x1];
	p0 =	sne.s32 s2, $0x0  }
0x69: {  	s3 =	rddreg [dreg:$0x2];
	[bflag:$0x3] =	sbarrier.arrive $0xFFFF;
	s2 =	simm.s32 @!p0 $0x1C05  }
0x6a: {  	[timem:s3], [sflag:s2] =	dma.local @!p0 [hbm:s0], s1  }
0x6b: {  	s0 =	simm.s32 @!p0 $0x5  }
0x6c: {  	_ =	swait.ge @!p0 [sflag:s0], s1  }
0x6d: {  	s1 =	ssub.s32 @!p0 $0x0, s1;
	[sflag:s0] =	ssyncset.done @!p0 $0x0  }
0x6e: {  	[sflag:s0] =	ssyncadd.s32 @!p0 s1  }
0x6f: {  	[bflag:$0x3] =	sbarrier.arrive $0xFFFF  }
0x70: {  	_ =	shalt  }

// kernel: scatter_offload_async_start
scs
__scs_entry_jumppad:
0x0: {  	(pc) =	sbr.rel $0x88, $3  }
0x1: {  	(tag) =	ssettag $0x0;
	lr =	simm.s32 $0x1  }
0x2: {  	[smem:$0x3F9F] =	sst lr;
	_ =	strace $0xD0000000  }
0x3: {  	_ = 	snop  }
0x4: {  	_ = 	snop  }
0x5: {  	_ = 	snop  }
0x6: {  	_ = 	snop  }
0x7: {  	_ = 	snop  }
__scs_overlays_trampoline_lowered:
0x8: {  	[smem:$0x3FAE] =	sst s0  }
0x9: {  	[smem:$0x3FAF] =	sst s1  }
0xa: {  	[smem:$0x3FB0] =	sst s2  }
0xb: {  	[smem:$0x3FB1] =	sst s3  }
0xc: {  	[smem:$0x3FB2] =	sst s4  }
0xd: {  	[smem:$0x3FB3] =	sst s5  }
0xe: {  	[smem:$0x3FB4] =	sst s6  }
0xf: {  	[smem:$0x3FB5] =	sst s7  }
0x10: {  	[smem:$0x3FB6] =	sst s8  }
0x11: {  	[smem:$0x3FB7] =	sst s9;
	s0 =	simm.s32 @!p0 $0x0  }
0x12: {  	s1 =	sld [smem:$0x3F9D];
	s0 =	simm.s32 @p0 $0x1  }
0x13: {  	[smem:$0x3FB8] =	sst s0;
	s0 =	simm.s32 @!p1 $0x0  }
0x14: {  	s2 =	sld [smem:$0x3F9C];
	s0 =	simm.s32 @p1 $0x1  }
0x15: {  	[smem:$0x3FB9] =	sst s0;
	s0 =	simm.s32 @!p2 $0x0  }
0x16: {  	s3 =	sld [smem:$0x3FDB];
	s0 =	simm.s32 @p2 $0x1  }
0x17: {  	s4 =	simm.s32 $0x1BF5;
	[smem:$0x3FBB] =	sst s0  }
0x18: {  	s0 =	sld [smem:$0x3F9E];
	_ =	swait.ge [sflag:s4], $0x0  }
0x19: {  	s7 =	sld [smem:$0x3F9F]  }
0x1a: {  	s8 =	sadd.s32 $0xFFFFE003, lr  }
0x1b: {  	s9 =	sadd.s32 $0xFFFFFEF7, lr;
	s5 =	simm.s32 $0xFFFFFFFF;
	p2 =	slt.u32 s8, $0xFFFFF086  }
0x1c: {  	p1 =	slt.u32 s9, $0xF7A;
	s5 =	simm.s32 @!p2 $0x0  }
0x1d: {  	s5 =	simm.s32 @p1 $0x1;
	p0 =	seq.s32 s7, s2  }
0x1e: {  	s7 =	smul.u32 @!p0 $0xF7A, s2;
	p2 =	seq.s32 @!p0 s5, $0x0  }
0x1f: {  	s9 =	smul.u32 $0xF7A, s1;
	s8 =	simm.s32 @!p0 $0x1BF5;
	p2 =	por !p2, p0  }
0x20: {  	[sflag:s8] =	ssyncset.s32 @!p0 $0xFFFFF086;
	s6 =	sadd.s32 @!p0 s3, s7;
	s7 =	simm.s32 @!p0 $0x108  }
0x21: {  	s3 =	sadd.s32 s3, s9;
	s6 =	sadd.s32 @!p0 $0x88, s6;
	s7 =	simm.s32 @p2 $0x1082  }
0x22: {  	[simem:s7], [sflag:s8] =	dma.local @!p0 [hbm:s6], $0xF7A  }
0x23: {  	s9 =	sor.u32 $0xD0000000, s2;
	s6 =	simm.s32 $0x108;
	_ =	swait.ge @!p0 [sflag:s8], $0x0  }
0x24: {  	s3 =	sadd.s32 $0x88, s3;
	s6 =	simm.s32 @!p1 $0x1082;
	[sflag:s4] =	ssyncset.s32 $0xFFFFF086  }
0x25: {  	[simem:s6], [sflag:s4] =	dma.local [hbm:s3], $0xF7A  }
0x26: {  	[smem:$0x3F9F] =	sst s1;
	(tag) =	ssettag s2;
	_ =	strace s9  }
0x27: {  	s1 =	sld [smem:$0x3FAF]  }
0x28: {  	s2 =	sld [smem:$0x3FB0]  }
0x29: {  	s4 =	sld [smem:$0x3FB2]  }
0x2a: {  	p0 =	seq.s32 s5, $0x0;
	s5 =	sld [smem:$0x3FB3]  }
0x2b: {  	s6 =	sld [smem:$0x3FB4]  }
0x2c: {  	s7 =	sld [smem:$0x3FB5]  }
0x2d: {  	s3 =	simm.s32 $0x108;
	s8 =	sld [smem:$0x3FB6]  }
0x2e: {  	s3 =	simm.s32 @!p0 $0x1082;
	s9 =	sld [smem:$0x3FB7]  }
0x2f: {  	lr =	sadd.s32 s0, s3;
	s0 =	sld [smem:$0x3FAE]  }
0x30: {  	s3 =	sld [smem:$0x3FB1]  }
0x31: {  	[smem:$0x3FBA] =	sst s10  }
0x32: {  	s10 =	sld [smem:$0x3FB8];
	_ =	sdelay $0x3  }
0x33: {  	p0 =	seq.s32 s10, $0x1;
	s10 =	sld [smem:$0x3FBA];
	_ =	sdelay $0x3  }
0x34: {  	[smem:$0x3FBA] =	sst s10  }
0x35: {  	s10 =	sld [smem:$0x3FB9];
	_ =	sdelay $0x3  }
0x36: {  	p1 =	seq.s32 s10, $0x1;
	s10 =	sld [smem:$0x3FBA];
	_ =	sdelay $0x3  }
0x37: {  	[smem:$0x3FBA] =	sst s10  }
0x38: {  	s10 =	sld [smem:$0x3FBB]  }
0x39: {  	_ = 	snop;
	(pc) =	sbr.ind lr, $3  }
0x3a: {  	_ = 	snop  }
0x3b: {  	_ = 	snop  }
0x3c: {  	p2 =	seq.s32 s10, $0x1;
	s10 =	sld [smem:$0x3FBA]  }
0x3d: {  	_ =	shalt  }
0x3e: {  	_ =	shalt  }
0x3f: {  	_ =	shalt  }
0x40: {  	_ =	shalt  }
0x41: {  	_ =	shalt  }
0x42: {  	_ =	shalt  }
0x43: {  	_ =	shalt  }
0x44: {  	_ =	shalt  }
0x45: {  	_ =	shalt  }
0x46: {  	_ =	shalt  }
0x47: {  	_ =	shalt  }
0x48: {  	_ =	shalt  }
0x49: {  	_ =	shalt  }
0x4a: {  	_ =	shalt  }
0x4b: {  	_ =	shalt  }
0x4c: {  	_ =	shalt  }
0x4d: {  	_ =	shalt  }
0x4e: {  	_ =	shalt  }
0x4f: {  	_ =	shalt  }
0x50: {  	_ =	shalt  }
0x51: {  	_ =	shalt  }
0x52: {  	_ =	shalt  }
0x53: {  	_ =	shalt  }
0x54: {  	_ =	shalt  }
0x55: {  	_ =	shalt  }
0x56: {  	_ =	shalt  }
0x57: {  	_ =	shalt  }
0x58: {  	_ =	shalt  }
0x59: {  	_ =	shalt  }
0x5a: {  	_ =	shalt  }
0x5b: {  	_ =	shalt  }
0x5c: {  	_ =	shalt  }
0x5d: {  	_ =	shalt  }
0x5e: {  	_ =	shalt  }
0x5f: {  	_ =	shalt  }
0x60: {  	_ =	shalt  }
0x61: {  	_ =	shalt  }
0x62: {  	_ =	shalt  }
0x63: {  	_ =	shalt  }
0x64: {  	_ =	shalt  }
0x65: {  	_ =	shalt  }
0x66: {  	_ =	shalt  }
0x67: {  	_ =	shalt  }
0x68: {  	_ =	shalt  }
0x69: {  	_ =	shalt  }
0x6a: {  	_ =	shalt  }
0x6b: {  	_ =	shalt  }
0x6c: {  	_ =	shalt  }
0x6d: {  	_ =	shalt  }
0x6e: {  	_ =	shalt  }
0x6f: {  	_ =	shalt  }
0x70: {  	_ =	shalt  }
0x71: {  	_ =	shalt  }
0x72: {  	_ =	shalt  }
0x73: {  	_ =	shalt  }
0x74: {  	_ =	shalt  }
0x75: {  	_ =	shalt  }
0x76: {  	_ =	shalt  }
0x77: {  	_ =	shalt  }
0x78: {  	_ =	shalt  }
0x79: {  	_ =	shalt  }
0x7a: {  	_ =	shalt  }
0x7b: {  	_ =	shalt  }
0x7c: {  	_ =	shalt  }
0x7d: {  	_ =	shalt  }
0x7e: {  	_ =	shalt  }
0x7f: {  	_ =	shalt  }
0x80: {  	_ =	shalt  }
0x81: {  	_ =	shalt  }
0x82: {  	_ =	shalt  }
0x83: {  	_ =	shalt  }
0x84: {  	_ =	shalt  }
0x85: {  	_ =	shalt  }
0x86: {  	_ =	shalt  }
0x87: {  	_ =	shalt  }
.Lfunc_end0:
.L_simem_size_0:
called_computation_lowered:
.L_overlay_start_0:
0x88: {  	s2 =	sld [smem:$0x3FD9]  }
0x89: {  	s3 =	sld [smem:$0x3FFE];
	_ =	sdelay $0x1  }
0x8a: {  	s1 =	srdreg.scid  }
0x8b: {  	s0 =	sand.u32 $0x1, s1  }
0x8c: {  	s15 =	sshll.u32 s0, $0xA;
	s2 =	sadd.s32 s3, s2  }
0x8d: {  	s2 =	sadd.s32 s2, s15  }
0x8e: {  	[smem:$0x3FC6] =	sst s2  }
0x8f: {  	_ = 	snop  }
0x90: {  	(tm) =	ssettm $0x1  }
0x91: {  	s16 =	sld [smem:$0x3FFB];
	_ =	sdelay $0x3  }
0x92: {  	_ =	strace s16  }
0x93: {  	s2 =	sld [smem:$0x3FFC];
	_ =	sdelay $0x3  }
0x94: {  	_ =	strace s2  }
0x95: {  	s2 =	sld [smem:$0x3FFD];
	_ =	sdelay $0x3  }
0x96: {  	_ =	strace s2  }
0x97: {  	_ =	strace $0x8FFFFFFF  }
0x98: {  	s17 =	sld [smem:$0x3FDB];
	_ =	sdelay $0x1  }
0x99: {  	s18 =	simm.s32 $_scs_section_size  }
0x9a: {  	s4 =	simm.s32 $_size__tile_overlayer_lowered;
	s5 =	simm.s32 $_tile_overlayer_lowered  }
0x9b: {  	s21 =	simm.s32 $0x1BFF;
	s20 =	sshll.u32 s5, $0x1;
	s2 =	sadd.s32 s18, s17  }
0x9c: {  	s6 =	simm.s32 $0x0;
	s19 =	sshll.u32 s4, $0x1;
	s4 =	sadd.s32 s20, s2  }
0x9d: {  	[timem:s6], [sflag:s21] =	dma.local [hbm:s4], s19  }
0x9e: {  	_ =	swait.ge [sflag:s21], s19  }
0x9f: {  	s3 =	ssub.s32 $0x0, s19;
	[sflag:s21] =	ssyncset.done $0x0  }
0xa0: {  	[sflag:s21] =	ssyncadd.s32 s3;
	_ =	sdelay $0x1  }
0xa1: {  	s22 =	simm.s32 $0x1B8B  }
0xa2: {  	_ =	swait.ge [sflag:s22], $0x1  }
0xa3: {  	[sflag:s22] =	ssyncset.done $0x0  }
0xa4: {  	s23 =	sld [smem:$0x3FFE];
	[sflag:s22] =	ssyncadd.s32 $0xFFFFFFFF  }
0xa5: {  	s25 =	simm.s32 $0x1B8E;
	s24 =	sld [smem:$0x0]  }
0xa6: {  	s26 =	simm.s32 $execute0_lowered;
	[smem:$0x3FD2] =	sst s25  }
0xa7: {  	s5 =	sshll.u32 s26, $0x1;
	_ =	strace $0x80000049;
	[dreg:$0x1] =	wrdreg $0xFFFFFFFF  }
0xa8: {  	s28 =	simm.s32 $_size_execute0_lowered;
	s2 =	sadd.s32 s2, s5;
	[dreg:$0x0] =	wrdreg $0x0  }
0xa9: {  	s5 =	sshll.u32 s28, $0x1;
	[dreg:$0x2] =	wrdreg s2  }
0xaa: {  	[dreg:$0x3] =	wrdreg s5  }
0xab: {  	[dreg:$0x4] =	wrdreg $0xC0  }
0xac: {  	_ =	task [dreg:s6], $0x5FFFF  }
0xad: {  	[dreg:$0x1] =	wrdreg $0xFFFFFFFF  }
0xae: {  	[dreg:$0x0] =	wrdreg $0x60  }
0xaf: {  	[dreg:$0x2] =	wrdreg s23  }
0xb0: {  	[dreg:$0x3] =	wrdreg s1  }
0xb1: {  	[dreg:$0x4] =	wrdreg s24  }
0xb2: {  	[dreg:$0x5] =	wrdreg $0x9  }
0xb3: {  	_ =	task.clear_ibuf [dreg:s6], $0x6FFFF;
	_ =	strace $0x90000049  }
0xb4: {  	s29 =	simm.s32 $0x9;
	_ =	strace $0x8000004B  }
0xb5: {  	_ =	swait.ge [sflag:s29], $0x1  }
0xb6: {  	[sflag:s29] =	ssyncadd.s32 $0xFFFFFFFF  }
0xb7: {  	_ =	strace $0x9000004B  }
0xb8: {  	_ =	sfence  }
0xb9: {  	s30 =	sld [smem:$0x0];
	_ =	sdelay $0x2  }
0xba: {  	s31 =	sshll.u32 s1, $0xD;
	s1 =	sshrl.u32 s1, $0x2  }
0xbb: {  	s3 =	sand.u32 $0x4000, s31;
	s1 =	sadd.s32 s1, s30  }
0xbc: {  	s0 =	sor.u32 s3, s0;
	s1 =	sshll.u32 s1, $0x11  }
0xbd: {  	s0 =	sor.u32 s1, s0  }
0xbe: {  	s0 =	sadd.s32 $0x8F2B, s0  }
0xbf: {  	[sflag:s0] =	ssyncadd.remote.s32 $0x1  }
0xc0: {  	_ =	sfence.sel $0xFFFF  }
0xc1: {  	[dreg:$0x0] =	wrdreg $0xFFFFFFFF;
	(pc) =	sbr.abs _section_cstart, $3  }
0xc2: {  	[dreg:$0x1] =	wrdreg $0xFFFFFFFF  }
0xc3: {  	_ =	task.clear_ibuf [dreg:s6], $0x2FFFF;
	_ =	strace $0x9FFFFFFF  }
0xc4: {  	(tm) =	ssettm $0x7FFFFFFF  }
0xc5: {  	_ =	shalt  }
tec
execute0_lowered:
.L_overlay_start_1:
0x0: {  	(tag) =	ssettag $0x1  }
0x1: {  	s12 =	rddreg [dreg:$0x0]  }
0x2: {  	s2 =	rddreg [dreg:$0x1];
	_ =	strace $0x8000004A;
	s13 =	simm.s32 $0x1  }
0x3: {  	v0 =	vimm.s32 $0x0;
	[sflag:s13] =	ssyncpa.u1 $0x0  }
0x4: {  	[tilespmem:$0x28] =	vst v0  }
0x5: {  	[tilespmem:$0x38] =	vst v0  }
0x6: {  	[tilespmem:$0x48] =	vst v0  }
0x7: {  	[tilespmem:$0x58] =	vst v0  }
0x8: {  	[tilespmem:$0x68] =	vst v0  }
0x9: {  	[tilespmem:$0x78] =	vst v0  }
0xa: {  	[tilespmem:$0x88] =	vst v0  }
0xb: {  	[tilespmem:$0x98] =	vst v0  }
0xc: {  	[tilespmem:$0xA8] =	vst v0  }
0xd: {  	[tilespmem:$0xB8] =	vst v0  }
0xe: {  	[tilespmem:$0xC8] =	vst v0  }
0xf: {  	[tilespmem:$0xD8] =	vst v0  }
0x10: {  	[tilespmem:$0xE8] =	vst v0  }
0x11: {  	[tilespmem:$0xF8] =	vst v0  }
0x12: {  	[tilespmem:$0x108] =	vst v0  }
0x13: {  	[tilespmem:$0x118] =	vst v0  }
0x14: {  	[tilespmem:$0x128] =	vst v0  }
0x15: {  	[tilespmem:$0x138] =	vst v0  }
0x16: {  	[tilespmem:$0x148] =	vst v0  }
0x17: {  	[tilespmem:$0x158] =	vst v0  }
0x18: {  	[tilespmem:$0x168] =	vst v0  }
0x19: {  	[tilespmem:$0x178] =	vst v0  }
0x1a: {  	[tilespmem:$0x188] =	vst v0  }
0x1b: {  	[tilespmem:$0x198] =	vst v0  }
0x1c: {  	[tilespmem:$0x1A8] =	vst v0  }
0x1d: {  	[tilespmem:$0x1B8] =	vst v0  }
0x1e: {  	[tilespmem:$0x1C8] =	vst v0  }
0x1f: {  	[tilespmem:$0x1D8] =	vst v0  }
0x20: {  	[tilespmem:$0x1E8] =	vst v0  }
0x21: {  	[tilespmem:$0x1F8] =	vst v0  }
0x22: {  	[tilespmem:$0x208] =	vst v0  }
0x23: {  	[tilespmem:$0x218] =	vst v0  }
0x24: {  	[tilespmem:$0x228] =	vst v0  }
0x25: {  	[tilespmem:$0x238] =	vst v0  }
0x26: {  	[tilespmem:$0x248] =	vst v0  }
0x27: {  	[tilespmem:$0x258] =	vst v0  }
0x28: {  	[tilespmem:$0x268] =	vst v0  }
0x29: {  	[tilespmem:$0x278] =	vst v0  }
0x2a: {  	[tilespmem:$0x288] =	vst v0  }
0x2b: {  	[tilespmem:$0x298] =	vst v0  }
0x2c: {  	[tilespmem:$0x2A8] =	vst v0  }
0x2d: {  	[tilespmem:$0x2B8] =	vst v0  }
0x2e: {  	[tilespmem:$0x2C8] =	vst v0  }
0x2f: {  	[tilespmem:$0x2D8] =	vst v0  }
0x30: {  	[tilespmem:$0x2E8] =	vst v0  }
0x31: {  	[tilespmem:$0x2F8] =	vst v0  }
0x32: {  	[tilespmem:$0x308] =	vst v0  }
0x33: {  	[tilespmem:$0x318] =	vst v0  }
0x34: {  	[tilespmem:$0x328] =	vst v0  }
0x35: {  	[tilespmem:$0x338] =	vst v0  }
0x36: {  	[tilespmem:$0x348] =	vst v0  }
0x37: {  	[tilespmem:$0x358] =	vst v0  }
0x38: {  	[tilespmem:$0x368] =	vst v0  }
0x39: {  	[tilespmem:$0x378] =	vst v0  }
0x3a: {  	[tilespmem:$0x388] =	vst v0  }
0x3b: {  	[tilespmem:$0x398] =	vst v0  }
0x3c: {  	[tilespmem:$0x3A8] =	vst v0  }
0x3d: {  	[tilespmem:$0x3B8] =	vst v0  }
0x3e: {  	[tilespmem:$0x3C8] =	vst v0  }
0x3f: {  	[tilespmem:$0x3D8] =	vst v0  }
0x40: {  	[tilespmem:$0x3E8] =	vst v0  }
0x41: {  	[tilespmem:$0x3F8] =	vst v0  }
0x42: {  	[tilespmem:$0x408] =	vst v0  }
0x43: {  	[tilespmem:$0x418] =	vst v0  }
0x44: {  	[tilespmem:$0x428] =	vst v0  }
0x45: {  	[tilespmem:$0x438] =	vst v0  }
0x46: {  	[tilespmem:$0x448] =	vst v0  }
0x47: {  	[tilespmem:$0x458] =	vst v0  }
0x48: {  	[tilespmem:$0x468] =	vst v0  }
0x49: {  	[tilespmem:$0x478] =	vst v0  }
0x4a: {  	[tilespmem:$0x488] =	vst v0  }
0x4b: {  	[tilespmem:$0x498] =	vst v0  }
0x4c: {  	[tilespmem:$0x4A8] =	vst v0  }
0x4d: {  	[tilespmem:$0x4B8] =	vst v0  }
0x4e: {  	[tilespmem:$0x4C8] =	vst v0  }
0x4f: {  	[tilespmem:$0x4D8] =	vst v0  }
0x50: {  	[tilespmem:$0x4E8] =	vst v0  }
0x51: {  	[tilespmem:$0x4F8] =	vst v0  }
0x52: {  	[tilespmem:$0x508] =	vst v0  }
0x53: {  	[tilespmem:$0x518] =	vst v0  }
0x54: {  	[tilespmem:$0x528] =	vst v0  }
0x55: {  	[tilespmem:$0x538] =	vst v0  }
0x56: {  	[tilespmem:$0x548] =	vst v0  }
0x57: {  	[tilespmem:$0x558] =	vst v0  }
0x58: {  	[tilespmem:$0x568] =	vst v0  }
0x59: {  	[tilespmem:$0x578] =	vst v0  }
0x5a: {  	[tilespmem:$0x588] =	vst v0  }
0x5b: {  	[tilespmem:$0x598] =	vst v0  }
0x5c: {  	[tilespmem:$0x5A8] =	vst v0  }
0x5d: {  	[tilespmem:$0x5B8] =	vst v0  }
0x5e: {  	[tilespmem:$0x5C8] =	vst v0  }
0x5f: {  	[tilespmem:$0x5D8] =	vst v0  }
0x60: {  	[tilespmem:$0x5E8] =	vst v0  }
0x61: {  	[tilespmem:$0x5F8] =	vst v0  }
0x62: {  	[tilespmem:$0x608] =	vst v0  }
0x63: {  	[tilespmem:$0x618] =	vst v0  }
0x64: {  	[tilespmem:$0x628] =	vst v0  }
0x65: {  	[tilespmem:$0x638] =	vst v0  }
0x66: {  	[tilespmem:$0x648] =	vst v0  }
0x67: {  	[tilespmem:$0x658] =	vst v0  }
0x68: {  	[tilespmem:$0x668] =	vst v0  }
0x69: {  	[tilespmem:$0x678] =	vst v0  }
0x6a: {  	[tilespmem:$0x688] =	vst v0  }
0x6b: {  	[tilespmem:$0x698] =	vst v0  }
0x6c: {  	[tilespmem:$0x6A8] =	vst v0  }
0x6d: {  	[tilespmem:$0x6B8] =	vst v0  }
0x6e: {  	[tilespmem:$0x6C8] =	vst v0  }
0x6f: {  	[tilespmem:$0x6D8] =	vst v0  }
0x70: {  	[tilespmem:$0x6E8] =	vst v0  }
0x71: {  	[tilespmem:$0x6F8] =	vst v0  }
0x72: {  	[tilespmem:$0x708] =	vst v0  }
0x73: {  	[tilespmem:$0x718] =	vst v0  }
0x74: {  	[tilespmem:$0x728] =	vst v0  }
0x75: {  	[tilespmem:$0x738] =	vst v0  }
0x76: {  	[tilespmem:$0x748] =	vst v0  }
0x77: {  	[tilespmem:$0x758] =	vst v0  }
0x78: {  	[tilespmem:$0x768] =	vst v0  }
0x79: {  	[tilespmem:$0x778] =	vst v0  }
0x7a: {  	[tilespmem:$0x788] =	vst v0  }
0x7b: {  	[tilespmem:$0x798] =	vst v0  }
0x7c: {  	[tilespmem:$0x7A8] =	vst v0  }
0x7d: {  	[tilespmem:$0x7B8] =	vst v0  }
0x7e: {  	[tilespmem:$0x7C8] =	vst v0  }
0x7f: {  	[tilespmem:$0x7D8] =	vst v0  }
0x80: {  	[tilespmem:$0x7E8] =	vst v0  }
0x81: {  	[tilespmem:$0x7F8] =	vst v0  }
0x82: {  	[tilespmem:$0x808] =	vst v0  }
0x83: {  	[tilespmem:$0x818] =	vst v0  }
0x84: {  	[tilespmem:$0x828] =	vst v0  }
0x85: {  	[tilespmem:$0x838] =	vst v0  }
0x86: {  	[tilespmem:$0x848] =	vst v0  }
0x87: {  	[tilespmem:$0x858] =	vst v0  }
0x88: {  	[tilespmem:$0x868] =	vst v0  }
0x89: {  	[tilespmem:$0x878] =	vst v0  }
0x8a: {  	[tilespmem:$0x888] =	vst v0  }
0x8b: {  	[tilespmem:$0x898] =	vst v0  }
0x8c: {  	[tilespmem:$0x8A8] =	vst v0  }
0x8d: {  	[tilespmem:$0x8B8] =	vst v0  }
0x8e: {  	[tilespmem:$0x8C8] =	vst v0  }
0x8f: {  	[tilespmem:$0x8D8] =	vst v0  }
0x90: {  	[tilespmem:$0x8E8] =	vst v0  }
0x91: {  	[tilespmem:$0x8F8] =	vst v0  }
0x92: {  	[tilespmem:$0x908] =	vst v0  }
0x93: {  	[tilespmem:$0x918] =	vst v0  }
0x94: {  	[tilespmem:$0x928] =	vst v0  }
0x95: {  	[tilespmem:$0x938] =	vst v0  }
0x96: {  	[tilespmem:$0x948] =	vst v0  }
0x97: {  	[tilespmem:$0x958] =	vst v0  }
0x98: {  	[tilespmem:$0x968] =	vst v0  }
0x99: {  	[tilespmem:$0x978] =	vst v0  }
0x9a: {  	[tilespmem:$0x988] =	vst v0  }
0x9b: {  	[tilespmem:$0x998] =	vst v0  }
0x9c: {  	[tilespmem:$0x9A8] =	vst v0  }
0x9d: {  	[tilespmem:$0x9B8] =	vst v0  }
0x9e: {  	[tilespmem:$0x9C8] =	vst v0  }
0x9f: {  	[tilespmem:$0x9D8] =	vst v0  }
0xa0: {  	[tilespmem:$0x9E8] =	vst v0  }
0xa1: {  	[tilespmem:$0x9F8] =	vst v0  }
0xa2: {  	[tilespmem:$0xA08] =	vst v0  }
0xa3: {  	[tilespmem:$0xA18] =	vst v0  }
0xa4: {  	[tilespmem:$0xA28] =	vst v0  }
0xa5: {  	[tilespmem:$0xA38] =	vst v0  }
0xa6: {  	[tilespmem:$0xA48] =	vst v0  }
0xa7: {  	[tilespmem:$0xA58] =	vst v0  }
0xa8: {  	[tilespmem:$0xA68] =	vst v0  }
0xa9: {  	[tilespmem:$0xA78] =	vst v0  }
0xaa: {  	[tilespmem:$0xA88] =	vst v0  }
0xab: {  	[tilespmem:$0xA98] =	vst v0  }
0xac: {  	[tilespmem:$0xAA8] =	vst v0  }
0xad: {  	[tilespmem:$0xAB8] =	vst v0  }
0xae: {  	[tilespmem:$0xAC8] =	vst v0  }
0xaf: {  	[tilespmem:$0xAD8] =	vst v0  }
0xb0: {  	[tilespmem:$0xAE8] =	vst v0  }
0xb1: {  	[tilespmem:$0xAF8] =	vst v0  }
0xb2: {  	[tilespmem:$0xB08] =	vst v0  }
0xb3: {  	[tilespmem:$0xB18] =	vst v0  }
0xb4: {  	[tilespmem:$0xB28] =	vst v0  }
0xb5: {  	[tilespmem:$0xB38] =	vst v0  }
0xb6: {  	[tilespmem:$0xB48] =	vst v0  }
0xb7: {  	[tilespmem:$0xB58] =	vst v0  }
0xb8: {  	[tilespmem:$0xB68] =	vst v0  }
0xb9: {  	[tilespmem:$0xB78] =	vst v0  }
0xba: {  	[tilespmem:$0xB88] =	vst v0  }
0xbb: {  	[tilespmem:$0xB98] =	vst v0  }
0xbc: {  	[tilespmem:$0xBA8] =	vst v0  }
0xbd: {  	[tilespmem:$0xBB8] =	vst v0  }
0xbe: {  	[tilespmem:$0xBC8] =	vst v0  }
0xbf: {  	[tilespmem:$0xBD8] =	vst v0  }
0xc0: {  	[tilespmem:$0xBE8] =	vst v0  }
0xc1: {  	[tilespmem:$0xBF8] =	vst v0  }
0xc2: {  	[tilespmem:$0xC08] =	vst v0  }
0xc3: {  	[tilespmem:$0xC18] =	vst v0  }
0xc4: {  	[tilespmem:$0xC28] =	vst v0  }
0xc5: {  	[tilespmem:$0xC38] =	vst v0  }
0xc6: {  	[tilespmem:$0xC48] =	vst v0  }
0xc7: {  	[tilespmem:$0xC58] =	vst v0  }
0xc8: {  	[tilespmem:$0xC68] =	vst v0  }
0xc9: {  	[tilespmem:$0xC78] =	vst v0  }
0xca: {  	[tilespmem:$0xC88] =	vst v0  }
0xcb: {  	[tilespmem:$0xC98] =	vst v0  }
0xcc: {  	[tilespmem:$0xCA8] =	vst v0  }
0xcd: {  	[tilespmem:$0xCB8] =	vst v0  }
0xce: {  	[tilespmem:$0xCC8] =	vst v0  }
0xcf: {  	[tilespmem:$0xCD8] =	vst v0  }
0xd0: {  	[tilespmem:$0xCE8] =	vst v0  }
0xd1: {  	[tilespmem:$0xCF8] =	vst v0  }
0xd2: {  	[tilespmem:$0xD08] =	vst v0  }
0xd3: {  	[tilespmem:$0xD18] =	vst v0  }
0xd4: {  	[tilespmem:$0xD28] =	vst v0  }
0xd5: {  	[tilespmem:$0xD38] =	vst v0  }
0xd6: {  	[tilespmem:$0xD48] =	vst v0  }
0xd7: {  	[tilespmem:$0xD58] =	vst v0  }
0xd8: {  	[tilespmem:$0xD68] =	vst v0  }
0xd9: {  	[tilespmem:$0xD78] =	vst v0  }
0xda: {  	[tilespmem:$0xD88] =	vst v0  }
0xdb: {  	[tilespmem:$0xD98] =	vst v0  }
0xdc: {  	[tilespmem:$0xDA8] =	vst v0  }
0xdd: {  	[tilespmem:$0xDB8] =	vst v0  }
0xde: {  	[tilespmem:$0xDC8] =	vst v0  }
0xdf: {  	[tilespmem:$0xDD8] =	vst v0  }
0xe0: {  	[tilespmem:$0xDE8] =	vst v0  }
0xe1: {  	[tilespmem:$0xDF8] =	vst v0  }
0xe2: {  	[tilespmem:$0xE08] =	vst v0  }
0xe3: {  	[tilespmem:$0xE18] =	vst v0  }
0xe4: {  	[tilespmem:$0xE28] =	vst v0  }
0xe5: {  	[tilespmem:$0xE38] =	vst v0  }
0xe6: {  	[tilespmem:$0xE48] =	vst v0  }
0xe7: {  	[tilespmem:$0xE58] =	vst v0  }
0xe8: {  	[tilespmem:$0xE68] =	vst v0  }
0xe9: {  	[tilespmem:$0xE78] =	vst v0  }
0xea: {  	[tilespmem:$0xE88] =	vst v0  }
0xeb: {  	[tilespmem:$0xE98] =	vst v0  }
0xec: {  	[tilespmem:$0xEA8] =	vst v0  }
0xed: {  	[tilespmem:$0xEB8] =	vst v0  }
0xee: {  	[tilespmem:$0xEC8] =	vst v0  }
0xef: {  	[tilespmem:$0xED8] =	vst v0  }
0xf0: {  	[tilespmem:$0xEE8] =	vst v0  }
0xf1: {  	[tilespmem:$0xEF8] =	vst v0  }
0xf2: {  	[tilespmem:$0xF08] =	vst v0  }
0xf3: {  	[tilespmem:$0xF18] =	vst v0  }
0xf4: {  	[tilespmem:$0xF28] =	vst v0  }
0xf5: {  	[tilespmem:$0xF38] =	vst v0  }
0xf6: {  	[tilespmem:$0xF48] =	vst v0  }
0xf7: {  	[tilespmem:$0xF58] =	vst v0  }
0xf8: {  	[tilespmem:$0xF68] =	vst v0  }
0xf9: {  	[tilespmem:$0xF78] =	vst v0  }
0xfa: {  	[tilespmem:$0xF88] =	vst v0  }
0xfb: {  	[tilespmem:$0xF98] =	vst v0  }
0xfc: {  	[tilespmem:$0xFA8] =	vst v0  }
0xfd: {  	[tilespmem:$0xFB8] =	vst v0  }
0xfe: {  	[tilespmem:$0xFC8] =	vst v0  }
0xff: {  	[tilespmem:$0xFD8] =	vst v0  }
0x100: {  	[tilespmem:$0xFE8] =	vst v0  }
0x101: {  	[tilespmem:$0xFF8] =	vst v0  }
0x102: {  	[tilespmem:$0x1018] =	vst v0  }
0x103: {  	[tilespmem:$0x10C8] =	vst v0  }
0x104: {  	[tilespmem:$0x1B28] =	vst v0  }
0x105: {  	[tilespmem:$0x1B18] =	vst v0  }
0x106: {  	[tilespmem:$0x1B08] =	vst v0  }
0x107: {  	[tilespmem:$0x1AF8] =	vst v0  }
0x108: {  	[tilespmem:$0x1AE8] =	vst v0  }
0x109: {  	[tilespmem:$0x1AD8] =	vst v0  }
0x10a: {  	[tilespmem:$0x1AC8] =	vst v0  }
0x10b: {  	[tilespmem:$0x1AB8] =	vst v0  }
0x10c: {  	[tilespmem:$0x1AA8] =	vst v0  }
0x10d: {  	[tilespmem:$0x1A98] =	vst v0  }
0x10e: {  	[tilespmem:$0x1A88] =	vst v0  }
0x10f: {  	[tilespmem:$0x1A78] =	vst v0  }
0x110: {  	[tilespmem:$0x1A68] =	vst v0  }
0x111: {  	[tilespmem:$0x1A58] =	vst v0  }
0x112: {  	[tilespmem:$0x1A48] =	vst v0  }
0x113: {  	[tilespmem:$0x1A38] =	vst v0  }
0x114: {  	[tilespmem:$0x1A28] =	vst v0  }
0x115: {  	[tilespmem:$0x1A18] =	vst v0  }
0x116: {  	[tilespmem:$0x1A08] =	vst v0  }
0x117: {  	[tilespmem:$0x19F8] =	vst v0  }
0x118: {  	[tilespmem:$0x19E8] =	vst v0  }
0x119: {  	[tilespmem:$0x19D8] =	vst v0  }
0x11a: {  	[tilespmem:$0x19C8] =	vst v0  }
0x11b: {  	[tilespmem:$0x19B8] =	vst v0  }
0x11c: {  	[tilespmem:$0x19A8] =	vst v0  }
0x11d: {  	[tilespmem:$0x1998] =	vst v0  }
0x11e: {  	[tilespmem:$0x1988] =	vst v0  }
0x11f: {  	[tilespmem:$0x1978] =	vst v0  }
0x120: {  	[tilespmem:$0x1968] =	vst v0  }
0x121: {  	[tilespmem:$0x1958] =	vst v0  }
0x122: {  	[tilespmem:$0x1948] =	vst v0  }
0x123: {  	[tilespmem:$0x1938] =	vst v0  }
0x124: {  	[tilespmem:$0x1928] =	vst v0  }
0x125: {  	[tilespmem:$0x1918] =	vst v0  }
0x126: {  	[tilespmem:$0x1908] =	vst v0  }
0x127: {  	[tilespmem:$0x18F8] =	vst v0  }
0x128: {  	[tilespmem:$0x18E8] =	vst v0  }
0x129: {  	[tilespmem:$0x18D8] =	vst v0  }
0x12a: {  	[tilespmem:$0x18C8] =	vst v0  }
0x12b: {  	[tilespmem:$0x18B8] =	vst v0  }
0x12c: {  	[tilespmem:$0x18A8] =	vst v0  }
0x12d: {  	[tilespmem:$0x1898] =	vst v0  }
0x12e: {  	[tilespmem:$0x1888] =	vst v0  }
0x12f: {  	[tilespmem:$0x1878] =	vst v0  }
0x130: {  	[tilespmem:$0x1868] =	vst v0  }
0x131: {  	[tilespmem:$0x1858] =	vst v0  }
0x132: {  	[tilespmem:$0x1848] =	vst v0  }
0x133: {  	[tilespmem:$0x1838] =	vst v0  }
0x134: {  	[tilespmem:$0x1828] =	vst v0  }
0x135: {  	[tilespmem:$0x1818] =	vst v0  }
0x136: {  	[tilespmem:$0x1808] =	vst v0  }
0x137: {  	[tilespmem:$0x17F8] =	vst v0  }
0x138: {  	[tilespmem:$0x17E8] =	vst v0  }
0x139: {  	[tilespmem:$0x17D8] =	vst v0  }
0x13a: {  	[tilespmem:$0x17C8] =	vst v0  }
0x13b: {  	[tilespmem:$0x17B8] =	vst v0  }
0x13c: {  	[tilespmem:$0x17A8] =	vst v0  }
0x13d: {  	[tilespmem:$0x1798] =	vst v0  }
0x13e: {  	[tilespmem:$0x1788] =	vst v0  }
0x13f: {  	[tilespmem:$0x1778] =	vst v0  }
0x140: {  	[tilespmem:$0x1768] =	vst v0  }
0x141: {  	[tilespmem:$0x1758] =	vst v0  }
0x142: {  	[tilespmem:$0x1748] =	vst v0  }
0x143: {  	[tilespmem:$0x1738] =	vst v0  }
0x144: {  	[tilespmem:$0x1728] =	vst v0  }
0x145: {  	[tilespmem:$0x1718] =	vst v0  }
0x146: {  	[tilespmem:$0x1708] =	vst v0  }
0x147: {  	[tilespmem:$0x16F8] =	vst v0  }
0x148: {  	[tilespmem:$0x16E8] =	vst v0  }
0x149: {  	[tilespmem:$0x16D8] =	vst v0  }
0x14a: {  	[tilespmem:$0x16C8] =	vst v0  }
0x14b: {  	[tilespmem:$0x16B8] =	vst v0  }
0x14c: {  	[tilespmem:$0x16A8] =	vst v0  }
0x14d: {  	[tilespmem:$0x1698] =	vst v0  }
0x14e: {  	[tilespmem:$0x1688] =	vst v0  }
0x14f: {  	[tilespmem:$0x1678] =	vst v0  }
0x150: {  	[tilespmem:$0x1668] =	vst v0  }
0x151: {  	[tilespmem:$0x1658] =	vst v0  }
0x152: {  	[tilespmem:$0x1648] =	vst v0  }
0x153: {  	[tilespmem:$0x1638] =	vst v0  }
0x154: {  	[tilespmem:$0x1628] =	vst v0  }
0x155: {  	[tilespmem:$0x1618] =	vst v0  }
0x156: {  	[tilespmem:$0x1608] =	vst v0  }
0x157: {  	[tilespmem:$0x15F8] =	vst v0  }
0x158: {  	[tilespmem:$0x15E8] =	vst v0  }
0x159: {  	[tilespmem:$0x15D8] =	vst v0  }
0x15a: {  	[tilespmem:$0x15C8] =	vst v0  }
0x15b: {  	[tilespmem:$0x15B8] =	vst v0  }
0x15c: {  	[tilespmem:$0x15A8] =	vst v0  }
0x15d: {  	[tilespmem:$0x1598] =	vst v0  }
0x15e: {  	[tilespmem:$0x1588] =	vst v0  }
0x15f: {  	[tilespmem:$0x1578] =	vst v0  }
0x160: {  	[tilespmem:$0x1568] =	vst v0  }
0x161: {  	[tilespmem:$0x1558] =	vst v0  }
0x162: {  	[tilespmem:$0x1548] =	vst v0  }
0x163: {  	[tilespmem:$0x1538] =	vst v0  }
0x164: {  	[tilespmem:$0x1528] =	vst v0  }
0x165: {  	[tilespmem:$0x1518] =	vst v0  }
0x166: {  	[tilespmem:$0x1508] =	vst v0  }
0x167: {  	[tilespmem:$0x14F8] =	vst v0  }
0x168: {  	[tilespmem:$0x14E8] =	vst v0  }
0x169: {  	[tilespmem:$0x14D8] =	vst v0  }
0x16a: {  	[tilespmem:$0x14C8] =	vst v0  }
0x16b: {  	[tilespmem:$0x14B8] =	vst v0  }
0x16c: {  	[tilespmem:$0x14A8] =	vst v0  }
0x16d: {  	[tilespmem:$0x1498] =	vst v0  }
0x16e: {  	[tilespmem:$0x1488] =	vst v0  }
0x16f: {  	[tilespmem:$0x1478] =	vst v0  }
0x170: {  	[tilespmem:$0x1468] =	vst v0  }
0x171: {  	[tilespmem:$0x1458] =	vst v0  }
0x172: {  	[tilespmem:$0x1448] =	vst v0  }
0x173: {  	[tilespmem:$0x1438] =	vst v0  }
0x174: {  	[tilespmem:$0x1428] =	vst v0  }
0x175: {  	[tilespmem:$0x1418] =	vst v0  }
0x176: {  	[tilespmem:$0x1408] =	vst v0  }
0x177: {  	[tilespmem:$0x13F8] =	vst v0  }
0x178: {  	[tilespmem:$0x13E8] =	vst v0  }
0x179: {  	[tilespmem:$0x13D8] =	vst v0  }
0x17a: {  	[tilespmem:$0x13C8] =	vst v0  }
0x17b: {  	[tilespmem:$0x13B8] =	vst v0  }
0x17c: {  	[tilespmem:$0x13A8] =	vst v0  }
0x17d: {  	[tilespmem:$0x1398] =	vst v0  }
0x17e: {  	[tilespmem:$0x1388] =	vst v0  }
0x17f: {  	[tilespmem:$0x1378] =	vst v0  }
0x180: {  	[tilespmem:$0x1368] =	vst v0  }
0x181: {  	[tilespmem:$0x1358] =	vst v0  }
0x182: {  	[tilespmem:$0x1348] =	vst v0  }
0x183: {  	[tilespmem:$0x1338] =	vst v0  }
0x184: {  	[tilespmem:$0x1328] =	vst v0  }
0x185: {  	[tilespmem:$0x1318] =	vst v0  }
0x186: {  	[tilespmem:$0x1308] =	vst v0  }
0x187: {  	[tilespmem:$0x12F8] =	vst v0  }
0x188: {  	[tilespmem:$0x12E8] =	vst v0  }
0x189: {  	[tilespmem:$0x12D8] =	vst v0  }
0x18a: {  	[tilespmem:$0x12C8] =	vst v0  }
0x18b: {  	[tilespmem:$0x12B8] =	vst v0  }
0x18c: {  	[tilespmem:$0x12A8] =	vst v0  }
0x18d: {  	[tilespmem:$0x1298] =	vst v0  }
0x18e: {  	[tilespmem:$0x1288] =	vst v0  }
0x18f: {  	[tilespmem:$0x1278] =	vst v0  }
0x190: {  	[tilespmem:$0x1268] =	vst v0  }
0x191: {  	[tilespmem:$0x1258] =	vst v0  }
0x192: {  	[tilespmem:$0x1248] =	vst v0  }
0x193: {  	[tilespmem:$0x1238] =	vst v0  }
0x194: {  	[tilespmem:$0x1228] =	vst v0  }
0x195: {  	[tilespmem:$0x1218] =	vst v0  }
0x196: {  	[tilespmem:$0x1208] =	vst v0  }
0x197: {  	[tilespmem:$0x11F8] =	vst v0  }
0x198: {  	[tilespmem:$0x11E8] =	vst v0  }
0x199: {  	[tilespmem:$0x11D8] =	vst v0  }
0x19a: {  	[tilespmem:$0x11C8] =	vst v0  }
0x19b: {  	[tilespmem:$0x11B8] =	vst v0  }
0x19c: {  	[tilespmem:$0x11A8] =	vst v0  }
0x19d: {  	[tilespmem:$0x1198] =	vst v0  }
0x19e: {  	[tilespmem:$0x1188] =	vst v0  }
0x19f: {  	[tilespmem:$0x1178] =	vst v0  }
0x1a0: {  	[tilespmem:$0x1168] =	vst v0  }
0x1a1: {  	[tilespmem:$0x1158] =	vst v0  }
0x1a2: {  	[tilespmem:$0x1148] =	vst v0  }
0x1a3: {  	[tilespmem:$0x1138] =	vst v0  }
0x1a4: {  	[tilespmem:$0x1128] =	vst v0  }
0x1a5: {  	[tilespmem:$0x1118] =	vst v0  }
0x1a6: {  	s4 =	stileid.u32;
	[tilespmem:$0x1108] =	vst v0  }
0x1a7: {  	s0 =	smul.u32 $0x73, s4;
	[tilespmem:$0x10F8] =	vst v0  }
0x1a8: {  	s1 =	smin.u32 s4, $0xC;
	[tilespmem:$0x10E8] =	vst v0  }
0x1a9: {  	[tilespmem:$0x10D8] =	vst v0;
	s0 =	sadd.s32 s1, s0  }
0x1aa: {  	p0 =	slt.u32 s4, $0xC;
	[tilespmem:$0x10A8] =	vst v0;
	s1 =	simm.s32 $0xC3C0;
	s6 =	smul.u32 $0x1B0, s0  }
0x1ab: {  	s1 =	simm.s32 @!p0 $0xC210;
	[tilespmem:$0x10B8] =	vst v0  }
0x1ac: {  	[tilespmem:$0x1098] =	vst v0;
	s0 =	sadd.s32 s1, s6  }
0x1ad: {  	s5 =	simm.s32 $0x2;
	[tilespmem:$0x1028] =	vst v0;
	s7 =	smin.u32 s0, $0xC3500  }
0x1ae: {  	s26 =	simm.s32 $0x9;
	s29 =	simm.s32 $0xA;
	[tilespmem:$0x1088] =	vst v0;
	s0 =	ssub.s32 s7, s6  }
0x1af: {  	s30 =	simm.s32 $0xB;
	s16 =	simm.s32 $0x0;
	[tilespmem:$0x1078] =	vst v0;
	p0 =	sgt.s32 s0, $0x0  }
0x1b0: {  	p4 =	por $0x0, $0x0;
	s17 =	simm.s32 $0xC;
	[tilespmem:$0x1068] =	vst v0;
	s0 =	simm.s32 @!p0 $0x0  }
0x1b1: {  	s21 =	simm.s32 $0x0;
	s18 =	simm.s32 $0x0;
	[tilespmem:$0x1058] =	vst v0;
	s25 =	smulhi.u32 $0x4BDA12F7, s0  }
0x1b2: {  	s20 =	simm.s32 $0x0;
	s3 =	sadd.s32 $0x30E00, s12;
	s8 =	sand.u32 $0x1, s2;
	[tilespmem:$0x1048] =	vst v0  }
0x1b3: {  	s9 =	sadd.s32 $0x39FE00, s12;
	s14 =	smul.u32 $0x186A0, s8;
	[tilespmem:$0x1038] =	vst v0;
	s1 =	sshrl.u32 s25, $0x7  }
0x1b4: {  	s31 =	sshll.u32 s4, $0x5;
	[tilespmem:$0x1008] =	vst v0;
	[sflag:s5] =	ssyncpa.u1 $0x0;
	v0 =	vimm.s32 $0xFFFFFFFF;
	s28 =	smul.u32 $0x1B0, s1  }
.Ltmp0:
0x1b5: {  	[dreg:$0x5] =	wrdreg s8;
	[tilespmem:$0x3648] =	vst v0;
	[sflag:s26] =	ssyncpa.u1 $0x0;
	(pc) =	sbr.rel .LBB2_1-.Ltmp0, $4  }
0x1b6: {  	[dreg:$0x4] =	wrdreg s31;
	[sflag:s29] =	ssyncpa.u1 $0x0;
	p0 =	sne.s32 s0, s28  }
0x1b7: {  	s10 =	sadd.s32 s14, s12;
	[sflag:s30] =	ssyncpa.u1 $0x0;
	s13 =	simm.s32 @!p0 $0x0  }
0x1b8: {  	s15 =	sadd.s32 $0x36F000, s10;
	s19 =	smov.u32 s6;
	s13 =	sadd.s32 s13, s1  }
0x1b9: {  	v0 =	vlaneseq.u32;
	[dreg:$0x6] =	wrdreg s6;
	p0 =	por $0x1, $0x1;
	s12 =	sadd.s32 $0x1, s13  }
.LBB2_18:
0x1ba: {  	s0 =	simm.s32 $0x2  }
0x1bb: {  	_ =	swait.ge [sflag:s0], $0x0  }
0x1bc: {  	[sflag:s0] =	ssyncset.done $0x0;
	s0 =	simm.s32 $0x0  }
.LBB2_19:
0x1bd: {  	_ =	swait.ge [sflag:s17], s0  }
0x1be: {  	s31 =	ssub.s32 $0x0, s0;
	v1 =	vmov s23;
	vm0 =	veq.s32 v0, $0x0;
	[sflag:s17] =	ssyncset.done $0x0  }
0x1bf: {  	vm15 =	veq.s32 v0, $0x2;
	v1 =	vsel vm0, s28, v1;
	[sflag:s17] =	ssyncadd.s32 s31  }
0x1c0: {  	v1 =	vsel vm15, s21, v1;
	[sflag:s17] =	ssyncpa.u1 $0x1  }
0x1c1: {  	[tilespmem:$0x3648] =	vst v1  }
.LBB2_20:
0x1c2: {  	s0 =	sadd.s32 $0x1B0, s19  }
0x1c3: {  	s1 =	smov.u32 s6;
	p1 =	slt.s32 s0, s7  }
0x1c4: {  	s1 =	smov.u32 @p1 s0;
	p1 =	sne.s32 s20, s12  }
.Ltmp1:
0x1c5: {  	_ = 	snop;
	(pc) =	sbr.rel @!p1 .LBB2_21-.Ltmp1, $4  }
0x1c6: {  	_ = 	snop  }
0x1c7: {  	s21 =	smov.u32 s18  }
0x1c8: {  	s31 =	sadd.s32 $0x1, s20;
	s18 =	smov.u32 s19;
	p0 =	por !p0, !p0  }
0x1c9: {  	p4 =	por !p4, !p4;
	s20 =	smov.u32 s31;
	s19 =	smov.u32 s1  }
.LBB2_1:
0x1ca: {  	p2 =	sge.u32 s20, s13  }
0x1cb: {  	s0 =	smulhi.u32 @!p2 $0xAAAAAAAB, s20  }
0x1cc: {  	s1 =	smov.u32 s19;
	p3 =	sgt.s32 @!p2 s19, $0xC3350  }
0x1cd: {  	s2 =	sshra.s32 @!p2 s19, $0x1F;
	p3 =	por !p3, p2;
	s0 =	sshrl.u32 @!p2 s0, $0x1  }
0x1ce: {  	s2 =	sand.u32 @!p2 s2, s19;
	s1 =	simm.s32 @p3 $0xC3350;
	s0 =	smul.u32 @!p2 $0x3, s0  }
0x1cf: {  	s1 =	ssub.s32 @!p2 s1, s2  }
0x1d0: {  	s23 =	sadd.s32 $0xFFFFFFFF, s20;
	s1 =	sadd.s32 @!p2 $0xFFF3CCB0, s1;
	s0 =	ssub.s32 @!p2 s20, s0  }
0x1d1: {  	s2 =	sshll.u32 @!p2 s1, $0x2;
	p3 =	sgt.s32 @!p2 s1, $0x1AF;
	s0 =	smul.u32 @!p2 $0x6C0, s0  }
0x1d2: {  	s5 =	sand.u32 @!p2 $0x7, s19;
	s1 =	ssub.s32 @!p2 $0x6C0, s2;
	p3 =	por !p3, p2  }
0x1d3: {  	s2 =	sshrl.u32 @!p2 s19, $0x3;
	s1 =	sshrl.u32 @!p2 s1, $0x2;
	s0 =	sshrl.u32 @!p2 s0, $0x2  }
0x1d4: {  	s2 =	sadd.s32 @!p2 s2, s15;
	s1 =	simm.s32 @!p3 $0x0;
	s0 =	sadd.s32 @!p2 $0x3888, s0  }
0x1d5: {  	[tilespmem:s0], [sflag:$0xA] =	stream.linear.gather @!p2 [hbm4b:s2+s5], s1, $0x38;
	[tilespmem:$0x1F0F8] =	vst v63  }
0x1d6: {  	p2 =	sge.u32 s23, s13  }
0x1d7: {  	p3 =	sgt.s32 @!p2 s18, $0xC3350  }
0x1d8: {  	s0 =	smov.u32 s18;
	s1 =	sshra.s32 @!p2 s18, $0x1F;
	p3 =	por !p3, p2  }
0x1d9: {  	s1 =	sand.u32 @!p2 s1, s18;
	s0 =	simm.s32 @p3 $0xC3350  }
0x1da: {  	s0 =	ssub.s32 @!p2 s0, s1  }
0x1db: {  	s0 =	sadd.s32 @!p2 $0xFFF3CCB0, s0  }
0x1dc: {  	s1 =	sshll.u32 @!p2 s0, $0x2  }
0x1dd: {  	p3 =	sgt.s32 @!p2 s0, $0x1AF;
	s0 =	ssub.s32 @!p2 $0x6C0, s1  }
0x1de: {  	s22 =	ssub.s32 @!p2 $0xC3500, s18;
	p3 =	por !p3, p2;
	s0 =	sshrl.u32 @!p2 s0, $0x2  }
0x1df: {  	s1 =	sand.u32 @!p2 $0x1, s23;
	s0 =	simm.s32 @!p3 $0x0;
	p3 =	slt.s32 @!p2 s22, $0x1  }
0x1e0: {  	s2 =	simm.s32 @!p2 $0xA;
	s1 =	smul.u32 @!p2 $0x6C0, s1;
	p3 =	por p2, p3  }
.Ltmp2:
0x1e1: {  	_ =	swait.ge @!p2 [sflag:s2], s0;
	(pc) =	sbr.rel @p3 .LBB2_7-.Ltmp2, $4  }
0x1e2: {  	s5 =	ssub.s32 @!p2 $0x0, s0;
	[sflag:s2] =	ssyncset.done @!p2 $0x0  }
0x1e3: {  	s1 =	sshrl.u32 @!p2 s1, $0x2;
	[sflag:s2] =	ssyncadd.s32 @!p2 s5;
	s2 =	sshrl.u32 @!p2 s18, $0x3  }
0x1e4: {  	s1 =	sadd.s32 @!p2 $0x3D98, s1;
	s5 =	sand.u32 @!p2 $0x7, s18;
	s2 =	sadd.s32 @!p2 s2, s10  }
0x1e5: {  	[tilespmem:s1], [sflag:$0xB] =	stream.linear.gather @!p2 [hbm4b:s2+s5], s0, $0x38;
	[tilespmem:$0x1F0F8] =	vst v63  }
0x1e6: {  	s0 =	smulhi.u32 $0xAAAAAAAB, s23;
	_ =	sdelay $0x1  }
0x1e7: {  	s0 =	sshrl.u32 s0, $0x1  }
0x1e8: {  	s0 =	smul.u32 $0x3, s0;
	_ =	sdelay $0x1  }
0x1e9: {  	s0 =	ssub.s32 s23, s0  }
0x1ea: {  	s1 =	simm.s32 $0x1;
	s0 =	smul.u32 $0x6C0, s0  }
.Ltmp3:
0x1eb: {  	s1 =	simm.s32 @!p0 $0x0;
	(pc) =	sbr.rel .LBB2_4-.Ltmp3, $4  }
0x1ec: {  	s1 =	smul.u32 $0x36000, s1  }
0x1ed: {  	p3 =	slt.s32 @!p2 s22, $0x1B0;
	s0 =	sshrl.u32 s0, $0x2  }
0x1ee: {  	p2 =	por !p3, p2;
	s1 =	sshrl.u32 s1, $0x2;
	s0 =	sadd.s32 $0x3888, s0  }
0x1ef: {  	s24 =	simm.s32 $0x0;
	s22 =	simm.s32 @p2 $0x1B0;
	s23 =	sadd.s32 $0x40F8, s1;
	v1 =	vmov s0  }
.LBB2_3:
0x1f0: {  	p2 =	sge.s32 s24, s22  }
.Ltmp4:
0x1f1: {  	_ = 	snop;
	(pc) =	sbr.rel @p2 .LBB2_7-.Ltmp4, $2  }
0x1f2: {  	_ =	sdelay $0x2  }
0x1f3: {  	s23 =	sadd.s32 $0x800, s23  }
.LBB2_4:
0x1f4: {  	p2 =	sle.s32 s22, s24  }
.Ltmp5:
0x1f5: {  	_ = 	snop;
	(pc) =	sbr.rel @p2 .LBB2_3-.Ltmp5, $2  }
0x1f6: {  	_ =	sdelay $0x2  }
0x1f7: {  	s0 =	smov.u32 s24;
	s24 =	sadd.s32 $0x10, s24  }
0x1f8: {  	s1 =	ssub.s32 s22, s0  }
0x1f9: {  	p2 =	slt.s32 s1, $0x10  }
0x1fa: {  	s1 =	simm.s32 @!p2 $0x10  }
0x1fb: {  	v2 =	vmov s1  }
0x1fc: {  	vm0 =	vgt.s32 v2, v0;
	_ =	sdelay $0x5  }
0x1fd: {  	v2 =	vld.idx.msk [tilespmem:v1+s0+$0x0 ss:$0x1], vm0;
	_ =	sdelay $0x2  }
0x1fe: {  	p2 =	slt.s32 s24, s22;
	s1 =	smov.u32 s22  }
0x1ff: {  	s2 =	smov.u32 s23;
	s25 =	simm.s32 $0x0;
	s1 =	smov.u32 @p2 s24  }
.LBB2_6:
0x200: {  	(v2sf) =	vpush v2, s25;
	_ =	sdelay $0xc  }
0x201: {  	s25 =	sadd.s32 $0x1, s25  }
0x202: {  	s31 =	sadd.s32 s25, s0  }
0x203: {  	p2 =	slt.s32 s31, s1;
	s5 =	spop (v2sf)  }
.Ltmp6:
0x204: {  	s5 =	sshll.u32 s5, $0x4;
	(pc) =	sbr.rel @p2 .LBB2_6-.Ltmp6, $4  }
0x205: {  	s5 =	sand.u32 $0x1FFFFFF0, s5  }
0x206: {  	s5 =	sadd.s32 s9, s5  }
0x207: {  	[tilespmem:s2], [sflag:$0x9] =	stream.linear.gather [hbm4b:s5+s16], $0x10, $0x38;
	[tilespmem:$0x1F0F8] =	vst v63  }
0x208: {  	s2 =	sadd.s32 $0x80, s2  }
.Ltmp7:
0x209: {  	_ = 	snop;
	(pc) =	sbr.rel .LBB2_3-.Ltmp7, $1  }
0x20a: {  	_ =	sdelay $0x3  }
.LBB2_7:
0x20b: {  	p2 =	slt.u32 s20, $0x2  }
.Ltmp8:
0x20c: {  	_ = 	snop;
	(pc) =	sbr.rel @p2 .LBB2_20-.Ltmp8, $1  }
0x20d: {  	_ =	sdelay $0x3  }
0x20e: {  	p2 =	sgt.s32 s21, $0xC3350  }
0x20f: {  	s0 =	smov.u32 s21;
	s1 =	sshra.s32 s21, $0x1F;
	s2 =	ssub.s32 $0xC3500, s21  }
0x210: {  	s0 =	simm.s32 @!p2 $0xC3350;
	s1 =	sand.u32 s1, s21;
	p2 =	slt.s32 s2, $0x1B0  }
0x211: {  	s0 =	ssub.s32 s0, s1;
	s2 =	simm.s32 @!p2 $0x1B0  }
0x212: {  	s0 =	sadd.s32 $0xFFF3CCB0, s0;
	s24 =	sshll.u32 s2, $0x4  }
0x213: {  	s28 =	simm.s32 $0x9;
	s25 =	sshll.u32 s0, $0x2;
	s1 =	sand.u32 $0x3FFFFFF0, s24  }
0x214: {  	p2 =	sgt.s32 s0, $0x1AF;
	s26 =	ssub.s32 $0x6C0, s25;
	_ =	swait.ge [sflag:s28], s1  }
0x215: {  	s1 =	ssub.s32 $0x0, s1;
	[sflag:s28] =	ssyncset.done $0x0;
	s0 =	sshrl.u32 s26, $0x2  }
0x216: {  	s30 =	simm.s32 $0xB;
	[sflag:s28] =	ssyncadd.s32 s1;
	s0 =	simm.s32 @p2 $0x0  }
0x217: {  	_ =	swait.ge [sflag:s30], s0  }
0x218: {  	s0 =	ssub.s32 $0x0, s0;
	[sflag:s30] =	ssyncset.done $0x0  }
0x219: {  	[sflag:s30] =	ssyncadd.s32 s0  }
0x21a: {  	v1 =	vld [tilespmem:$0x3648];
	_ =	sdelay $0x4  }
0x21b: {  	(v2sf) =	vpush v1, $0x0  }
0x21c: {  	(v2sf) =	vpush v1, $0x1  }
0x21d: {  	(v2sf) =	vpush v1, $0x2;
	_ =	sdelay $0x3  }
0x21e: {  	s0 =	sadd.s32 $0x1B0, s21  }
0x21f: {  	s1 =	ssub.s32 $0x186A00, s21;
	p2 =	slt.s32 s7, s0  }
0x220: {  	s0 =	smov.u32 @p2 s7;
	p2 =	sgt.s32 s1, $0x0  }
0x221: {  	s25 =	ssub.s32 s0, s21;
	s1 =	simm.s32 @!p2 $0x0  }
0x222: {  	p2 =	slt.s32 s1, s25  }
0x223: {  	s25 =	smov.u32 @p2 s1  }
0x224: {  	s24 =	simm.s32 $0x1;
	p2 =	slt.s32 s25, $0x1  }
.Ltmp9:
0x225: {  	s24 =	simm.s32 @!p4 $0x0;
	(pc) =	sbr.rel @p2 .LBB2_12-.Ltmp9, $4  }
0x226: {  	s31 =	smul.u32 $0x6C0, s24  }
0x227: {  	s26 =	spop (v2sf)  }
0x228: {  	s0 =	sshrl.u32 s31, $0x2;
	s29 =	spop (v2sf)  }
0x229: {  	s22 =	sadd.s32 $0x3D98, s0;
	s21 =	spop (v2sf)  }
0x22a: {  	s0 =	smin.u32 s25, $0x10  }
0x22b: {  	v1 =	vmov s0  }
0x22c: {  	p3 =	sgt.s32 s25, $0x10;
	vm1 =	vgt.u32 v1, v0  }
.Ltmp10:
0x22d: {  	_ = 	snop;
	(pc) =	sbr.rel @!p3 .LBB2_11-.Ltmp10, $2  }
0x22e: {  	_ =	sdelay $0x2  }
0x22f: {  	s23 =	simm.s32 $0x10;
	s28 =	sadd.s32 $0xFFFFFFF0, s25;
	s0 =	smov.u32 s22;
	vm0 =	vmmov vm1  }
.LBB2_10:
0x230: {  	s1 =	smin.u32 s28, $0x10;
	s23 =	sadd.s32 $0x10, s23;
	v1 =	vld.msk [tilespmem:s0+$0x0 ss:$0x1], vm1  }
0x231: {  	v2 =	vmov s1;
	p3 =	slt.s32 s23, s25  }
0x232: {  	vm1 =	vgt.u32 v2, v0  }
.Ltmp11:
0x233: {  	(pc) =	sbr.rel @p3 .LBB2_10-.Ltmp11, $3  }
0x234: {  	_ =	sdelay $0x1  }
0x235: {  	v1 =	vshll.u32 v1, $0x4  }
0x236: {  	s28 =	sadd.s32 $0xFFFFFFF0, s28;
	[tilespmem:s0+$0x0] =	vst.msk vm0, v1;
	s0 =	sadd.s32 $0x10, s0;
	vm0 =	vmmov vm1  }
.LBB2_11:
0x237: {  	_ =	sdelay $0x4  }
0x238: {  	v1 =	vld.msk [tilespmem:s0+$0x0 ss:$0x1], vm1;
	_ =	sdelay $0x4  }
0x239: {  	v1 =	vshll.u32 v1, $0x4  }
0x23a: {  	[tilespmem:s0+$0x0] =	vst.msk vm0, v1  }
.LBB2_12:
0x23b: {  	s0 =	sand.u32 $0x1, s20  }
0x23c: {  	s0 =	smul.u32 $0x1B0, s0  }
0x23d: {  	p3 =	sne.s32 s29, $0xFFFFFFFF  }
0x23e: {  	v1 =	vld.msk @!p3 [tilespmem:s0+$0x3D98], $0x1;
	_ =	sdelay $0x4  }
0x23f: {  	(v2sf) =	vpush @!p3 v1, $0x0;
	_ =	sdelay $0xc  }
.Ltmp12:
0x240: {  	_ = 	snop;
	(pc) =	sbr.rel @p2 .LBB2_18-.Ltmp12, $4  }
0x241: {  	_ = 	snop  }
0x242: {  	s28 =	spop @!p3 (v2sf)  }
0x243: {  	s21 =	simm.s32 @!p3 $0x0;
	s23 =	smov.u32 s28  }
0x244: {  	[sflag:s17] =	ssyncpa.u1 $0x0;
	s28 =	smov.u32 @p3 s26;
	s23 =	smov.u32 @p3 s29  }
0x245: {  	v1 =	vld.msk [tilespmem:s22+$0x0], $0x1;
	_ =	sdelay $0x4  }
0x246: {  	(v2sf) =	vpush v1, $0x0;
	_ =	sdelay $0xe  }
0x247: {  	s0 =	simm.s32 @!p4 $0x0;
	s26 =	smul.u32 $0x36000, s24;
	s31 =	spop (v2sf)  }
0x248: {  	s29 =	ssub.s32 $0x0, s25;
	s0 =	simm.s32 @p4 $0x1;
	p2 =	seq.s32 s28, s31  }
0x249: {  	s1 =	smov.u32 s28;
	[smem:$0x7FD] =	sst s0;
	p3 =	sgt.s32 @!p2 s28, $0x0  }
0x24a: {  	s0 =	sshrl.u32 s26, $0x2;
	s26 =	sadd.s32 $0x1, s29;
	p3 =	por !p3, p2  }
0x24b: {  	s1 =	simm.s32 @p3 $0x0;
	p3 =	seq.s32 s26, $0x0  }
.Ltmp13:
0x24c: {  	_ = 	snop;
	(pc) =	sbr.rel @p3 .LBB2_15-.Ltmp13, $4  }
0x24d: {  	s6 =	smov.u32 s10;
	s25 =	simm.s32 $0x0  }
0x24e: {  	s24 =	sadd.s32 $0x40F8, s0;
	s0 =	simm.s32 @!p2 $0x1;
	s2 =	smin.u32 @!p2 s1, $0x1869FE  }
0x24f: {  	s30 =	sadd.s32 $0x1, s22;
	s0 =	smov.u32 @p2 s25;
	s5 =	sand.u32 @!p2 $0x1FFFF8, s2  }
0x250: {  	s1 =	simm.s32 @!p2 $0x1B38;
	s2 =	sand.u32 @!p2 $0x7, s2;
	s5 =	sadd.s32 @!p2 s3, s5  }
.LBB2_14:
0x251: {  	s4 =	smov.u32 s0  }
0x252: {  	[tilespmem:s1], [sflag:$0x2] =	stream.linear.gather @!p2 [hbm4b:s5+s2], $0x10, $0x38;
	[tilespmem:$0x1F0F8] =	vst v63  }
0x253: {  	s26 =	sadd.s32 $0x1, s26;
	s2 =	smov.u32 s31;
	v1 =	vld.msk [tilespmem:s30+$0x0], $0x1  }
0x254: {  	p3 =	seq.s32 s26, $0x0;
	_ =	sdelay $0x3  }
0x255: {  	(v2sf) =	vpush v1, $0x0;
	_ =	sdelay $0xe  }
0x256: {  	s31 =	spop (v2sf)  }
0x257: {  	p2 =	seq.s32 s2, s31  }
0x258: {  	p4 =	sgt.s32 @!p2 s2, $0x0;
	s1 =	sshll.u32 @!p2 s0, $0x6;
	s0 =	sadd.s32 @!p2 $0x1, s0  }
.Ltmp14:
0x259: {  	p4 =	por !p4, p2;
	s1 =	sshra.s32 @!p2 s1, $0x2;
	(pc) =	sbr.rel @!p3 .LBB2_14-.Ltmp14, $4  }
0x25a: {  	s0 =	smov.u32 @p2 s4;
	s2 =	simm.s32 @p4 $0x0;
	s1 =	sadd.s32 @!p2 $0x1B38, s1  }
0x25b: {  	s2 =	smin.u32 @!p2 s2, $0x1869FE  }
0x25c: {  	s4 =	sand.u32 @!p2 $0x1FFFF8, s2;
	s2 =	sand.u32 @!p2 $0x7, s2  }
0x25d: {  	s30 =	sadd.s32 $0x1, s30;
	s5 =	sadd.s32 @!p2 s3, s4  }
.LBB2_15:
0x25e: {  	[tilespmem:s1], [sflag:$0x2] =	stream.linear.gather @!p2 [hbm4b:s5+s2], $0x10, $0x38;
	[tilespmem:$0x1F0F8] =	vst v63  }
0x25f: {  	s0 =	sshll.u32 s0, $0x4  }
0x260: {  	s31 =	simm.s32 $0x2;
	s0 =	sand.u32 $0x3FFFFFF0, s0  }
0x261: {  	_ =	swait.ge [sflag:s31], s0  }
0x262: {  	s0 =	ssub.s32 $0x0, s0;
	[sflag:s31] =	ssyncset.done $0x0  }
0x263: {  	[sflag:s31] =	ssyncadd.s32 s0  }
0x264: {  	v1 =	vld.msk [tilespmem:s22+$0x0], $0x1;
	_ =	sdelay $0x4  }
0x265: {  	(v2sf) =	vpush v1, $0x0;
	_ =	sdelay $0xe  }
0x266: {  	s26 =	spop (v2sf)  }
0x267: {  	p2 =	sne.s32 s28, s26  }
0x268: {  	p4 =	sne.s32 @p2 s28, s23  }
0x269: {  	p3 =	por !p4, !p2  }
0x26a: {  	s0 =	simm.s32 @!p3 $0x0  }
0x26b: {  	v1 =	vld @!p3 [tilespmem:s0+$0x1B38]  }
0x26c: {  	p5 =	sgt.u32 @!p3 s28, $0x1869FE  }
0x26d: {  	s1 =	sshll.u32 @!p3 s21, $0x6;
	p6 =	por @p2 p5, !p4  }
0x26e: {  	s1 =	sshra.s32 @!p3 s1, $0x2;
	p1 =	por p6, !p2;
	p6 =	por p4, !p2  }
0x26f: {  	s2 =	sadd.s32 @!p3 $0x28, s1;
	s4 =	sand.u32 @!p1 $0x1FFFF8, s28;
	s5 =	sshll.u32 @!p6 s21, $0x6  }
0x270: {  	s28 =	sand.u32 @!p1 $0x7, s28;
	[tilespmem:s1+$0x28] =	vst.add.f32.msk @!p3 $0xffff, v1;
	s1 =	sadd.s32 @!p1 s3, s4;
	s4 =	sshra.s32 @!p6 s5, $0x2  }
0x271: {  	[hbm4b:s1+s28] =	stream.linear.scatter @!p1 [tilespmem:s2], [sflag:$0xC], $0x10, $0x38;
	[tilespmem:$0x1F0F8] =	vst v63  }
0x272: {  	s0 =	rddreg [dreg:$0x4];
	s1 =	sadd.s32 @!p6 $0x28, s4;
	s2 =	simm.s32 @!p6 $0x1  }
0x273: {  	[spmem:s0] =	stream.linear.scatter @!p6 [tilespmem:s1], [sflag:$0x1], $0x10, $0x38;
	[tilespmem:$0x1F0F8] =	vst v63  }
0x274: {  	s0 =	sadd.s32 @p2 $0x1, s21;
	_ =	swait.ge @!p6 [sflag:s2], $0x10  }
0x275: {  	s1 =	sshrl.u32 @p2 s0, $0x4;
	[sflag:s2] =	ssyncset.done @!p6 $0x0  }
0x276: {  	s1 =	smulhi.u32 @p2 $0x97B425F, s1;
	[sflag:s2] =	ssyncadd.s32 @!p6 $0xFFFFFFF0  }
0x277: {  	s28 =	sadd.s32 $0x1, s29;
	v1 =	vld @p2 [tilespmem:s24+$0x0]  }
0x278: {  	p1 =	por @p2 !p5, !p4;
	p4 =	seq.s32 s28, $0x0;
	s1 =	smul.u32 @p2 $0x1B0, s1  }
.Ltmp15:
0x279: {  	p1 =	por !p1, !p2;
	s2 =	simm.s32 @!p3 $0x0;
	(pc) =	sbr.rel @p4 .LBB2_17-.Ltmp15, $4  }
0x27a: {  	s4 =	sshll.u32 @!p2 s21, $0x6;
	s2 =	simm.s32 @!p1 $0x40;
	s0 =	ssub.s32 @p2 s0, s1  }
0x27b: {  	s29 =	simm.s32 $0x0;
	s2 =	sadd.s32 @!p3 $0x0, s2;
	s5 =	sshll.u32 @p2 s0, $0x4  }
0x27c: {  	s30 =	sshra.s32 @!p2 s4, $0x2;
	s1 =	simm.s32 @p2 $0x1;
	s2 =	smov.u32 @p3 s25;
	[tilespmem:s5+$0x28] =	vst @p2 v1  }
0x27d: {  	s21 =	smov.u32 @p2 s0;
	s29 =	smov.u32 @p2 s2;
	s25 =	smov.u32 @p2 s1;
	v1 =	vld @!p2 [tilespmem:s24+$0x0]  }
.LBB2_16:
0x27e: {  	_ =	sdelay $0x3  }
0x27f: {  	s22 =	sadd.s32 $0x1, s22;
	[tilespmem:s30+$0x28] =	vst.add.f32.msk @!p2 $0xffff, v1  }
0x280: {  	v1 =	vld.msk [tilespmem:s22+$0x0], $0x1;
	_ =	sdelay $0x4  }
0x281: {  	(v2sf) =	vpush v1, $0x0;
	_ =	sdelay $0xe  }
0x282: {  	s0 =	smov.u32 s26;
	s26 =	spop (v2sf)  }
0x283: {  	p2 =	sne.s32 s0, s26  }
0x284: {  	p5 =	sne.s32 @p2 s0, s23  }
0x285: {  	s4 =	sshll.u32 @!p2 s21, $0x6;
	p4 =	por !p5, !p2  }
0x286: {  	s30 =	sshra.s32 @!p2 s4, $0x2;
	s4 =	sshll.u32 @!p4 s25, $0x6  }
0x287: {  	s4 =	sshra.s32 @!p4 s4, $0x2  }
0x288: {  	p1 =	sgt.u32 @!p4 s0, $0x1869FE;
	v1 =	vld @!p4 [tilespmem:s4+$0x1B38]  }
0x289: {  	s31 =	sshll.u32 @!p4 s21, $0x6;
	p6 =	por @p2 p1, !p5;
	p1 =	por @p2 !p1, !p5  }
0x28a: {  	s8 =	simm.s32 @!p4 $0x0;
	s31 =	sshra.s32 @!p4 s31, $0x2;
	p1 =	por !p1, !p2  }
0x28b: {  	p5 =	por p5, !p2;
	s8 =	simm.s32 @!p1 $0x40;
	p1 =	por p6, !p2  }
0x28c: {  	s4 =	sadd.s32 @!p4 $0x28, s31;
	s14 =	sshll.u32 @!p5 s21, $0x6;
	s11 =	sand.u32 @!p1 $0x1FFFF8, s0  }
0x28d: {  	s14 =	sshra.s32 @!p5 s14, $0x2;
	s0 =	sand.u32 @!p1 $0x7, s0;
	s11 =	sadd.s32 @!p1 s3, s11;
	[tilespmem:s31+$0x28] =	vst.add.f32.msk @!p4 $0xffff, v1  }
0x28e: {  	[hbm4b:s11+s0] =	stream.linear.scatter @!p1 [tilespmem:s4], [sflag:$0xC], $0x10, $0x38;
	[tilespmem:$0x1F0F8] =	vst v63  }
0x28f: {  	s1 =	rddreg [dreg:$0x4];
	s0 =	sadd.s32 @!p5 $0x28, s14;
	s4 =	simm.s32 @!p5 $0x1  }
0x290: {  	[spmem:s1] =	stream.linear.scatter @!p5 [tilespmem:s0], [sflag:$0x1], $0x10, $0x38;
	[tilespmem:$0x1F0F8] =	vst v63  }
0x291: {  	s2 =	sadd.s32 @p2 $0x1, s21;
	_ =	swait.ge @!p5 [sflag:s4], $0x10  }
0x292: {  	s5 =	sshrl.u32 @p2 s2, $0x4;
	[sflag:s4] =	ssyncset.done @!p5 $0x0  }
0x293: {  	s24 =	sadd.s32 $0x80, s24;
	s5 =	smulhi.u32 @p2 $0x97B425F, s5;
	[sflag:s4] =	ssyncadd.s32 @!p5 $0xFFFFFFF0  }
0x294: {  	s28 =	sadd.s32 $0x1, s28;
	v1 =	vld @p2 [tilespmem:s24+$0x0]  }
0x295: {  	p3 =	seq.s32 s28, $0x0;
	s5 =	smul.u32 @p2 $0x1B0, s5  }
.Ltmp16:
0x296: {  	_ = 	snop;
	(pc) =	sbr.rel @!p3 .LBB2_16-.Ltmp16, $4  }
0x297: {  	s2 =	ssub.s32 @p2 s2, s5  }
0x298: {  	s8 =	sadd.s32 @!p4 s8, s29;
	s5 =	sshll.u32 @p2 s2, $0x4  }
0x299: {  	s10 =	sadd.s32 @p2 $0x1, s25;
	s8 =	smov.u32 @p4 s29;
	[tilespmem:s5+$0x28] =	vst @p2 v1  }
0x29a: {  	s25 =	smov.u32 @p2 s10;
	s21 =	smov.u32 @p2 s2;
	s29 =	smov.u32 @p2 s8;
	v1 =	vld @!p2 [tilespmem:s24+$0x0]  }
.LBB2_17:
.Ltmp17:
0x29b: {  	_ = 	snop;
	(pc) =	sbr.rel .LBB2_19-.Ltmp17, $3  }
0x29c: {  	s1 =	sld [smem:$0x7FD];
	_ =	sdelay $0x1  }
0x29d: {  	s0 =	sshrl.u32 s29, $0x2;
	s28 =	smov.u32 s26  }
0x29e: {  	s10 =	smov.u32 s6;
	s6 =	rddreg [dreg:$0x6];
	p4 =	seq.s32 s1, $0x1;
	[tilespmem:s30+$0x28] =	vst.add.f32.msk @!p2 $0xffff, v1  }
.LBB2_21:
0x29f: {  	_ =	sfence.sel $0x180000  }
0x2a0: {  	s0 =	simm.s32 $0x9;
	[bflag:$0x0] =	sbarrier.arrive $0xFFFF  }
0x2a1: {  	s24 =	simm.s32 $0xA;
	[sflag:s0] =	ssyncpa.u1 $0x1  }
0x2a2: {  	s25 =	simm.s32 $0xB;
	[sflag:s24] =	ssyncpa.u1 $0x1  }
0x2a3: {  	s26 =	simm.s32 $0x2;
	[sflag:s25] =	ssyncpa.u1 $0x1  }
0x2a4: {  	[sflag:s26] =	ssyncpa.u1 $0x1  }
0x2a5: {  	v0 =	vld [tilespmem:$0x3648];
	_ =	sdelay $0x4  }
0x2a6: {  	(v2sf) =	vpush v0, $0x0  }
0x2a7: {  	(v2sf) =	vpush v0, $0x1;
	_ =	sdelay $0x1  }
0x2a8: {  	(v2sf) =	vpush v0, $0x2;
	_ =	sdelay $0xb  }
0x2a9: {  	s0 =	spop (v2sf)  }
0x2aa: {  	s1 =	spop (v2sf)  }
0x2ab: {  	s2 =	smov.u32 s0;
	p0 =	sne.s32 s0, s1  }
0x2ac: {  	s4 =	spop (v2sf);
	s2 =	simm.s32 @!p0 $0xFFFFFFFF  }
0x2ad: {  	v2 =	vimm.s32 $0x1;
	v3 =	vlaneseq.u32;
	p0 =	seq.s32 s4, $0xFFFFFFFF;
	v1 =	vmov s2  }
0x2ae: {  	s16 =	stileid.u32;
	v0 =	vperm.xlane v0, v2;
	p1 =	sne.s32 @!p0 s0, s1;
	v1 =	vperm.xlane v1, v3  }
0x2af: {  	vm0 =	vcmask $0x3F04;
	s6 =	simm.s32 $0x3648;
	s0 =	simm.s32 @!p0 $0x1;
	p1 =	por !p1, p0  }
0x2b0: {  	s2 =	sshll.u32 s16, $0x1;
	s1 =	sshll.u32 @!p0 s4, $0x6;
	s0 =	simm.s32 @p1 $0x0;
	v0 =	vsel vm0, v1, v0  }
0x2b1: {  	s5 =	sor.u32 $0x200, s2;
	s1 =	sshra.s32 @!p0 s1, $0x2;
	s0 =	sor.u32 @!p0 s0, s2;
	[tilespmem:$0x3648] =	vst v0  }
0x2b2: {  	[spmem:s5] =	stream.linear.scatter [tilespmem:s6], [sflag:$0x1], $0x2, $0x38;
	[tilespmem:$0x1F0F8] =	vst v63  }
0x2b3: {  	s1 =	sadd.s32 @!p0 $0x28, s1;
	s0 =	sshll.u32 @!p0 s0, $0x4  }
0x2b4: {  	[spmem:s0] =	stream.linear.scatter @!p0 [tilespmem:s1], [sflag:$0x1], $0x10, $0x38;
	[tilespmem:$0x1F0F8] =	vst v63  }
0x2b5: {  	s0 =	simm.s32 @!p0 $0x12  }
0x2b6: {  	s28 =	simm.s32 $0x1;
	s0 =	simm.s32 @p0 $0x2  }
0x2b7: {  	_ =	swait.ge [sflag:s28], s0  }
0x2b8: {  	s0 =	ssub.s32 $0x0, s0;
	[sflag:s28] =	ssyncset.done $0x0  }
0x2b9: {  	p0 =	sne.s32 s16, $0x0;
	[sflag:s28] =	ssyncadd.s32 s0  }
.Ltmp18:
0x2ba: {  	_ =	sfence.stream.spmem;
	(pc) =	sbr.rel @p0 .LBB2_38-.Ltmp18, $4  }
0x2bb: {  	s29 =	simm.s32 $0x3;
	[bflag:$0x0] =	sbarrier.arrive $0xFFFF  }
0x2bc: {  	s30 =	simm.s32 $0x4;
	[sflag:s29] =	ssyncpa.u1 $0x1  }
0x2bd: {  	s31 =	simm.s32 $0x3C;
	[sflag:s30] =	ssyncpa.u1 $0x1  }
0x2be: {  	s17 =	rddreg [dreg:$0x5];
	[sflag:s31] =	ssyncpa.u1 $0x1  }
0x2bf: {  	_ =	sfence.stream.spmem;
	s0 =	simm.s32 $0x5  }
0x2c0: {  	s1 =	simm.s32 $0x200;
	s2 =	simm.s32 $0x3658;
	[sflag:s0] =	ssyncpa.u1 $0x0  }
0x2c1: {  	[tilespmem:s2], [sflag:$0x5] =	stream.linear.gather [spmem:s1], $0x20, $0x38;
	[tilespmem:$0x1F0F8] =	vst v63  }
0x2c2: {  	s26 =	simm.s32 $0x0;
	s28 =	simm.s32 $0x3678  }
0x2c3: {  	[tilespmem:s28], [sflag:$0x5] =	stream.linear.gather [spmem:s26], $0x200, $0x38;
	[tilespmem:$0x1F0F8] =	vst v63  }
0x2c4: {  	_ =	swait.ge [sflag:s0], $0x220  }
0x2c5: {  	[sflag:s0] =	ssyncset.done $0x0  }
0x2c6: {  	s29 =	simm.s32 $0x0;
	[sflag:s0] =	ssyncadd.s32 $0xFFFFFDE0  }
0x2c7: {  	v0 =	vld.msk [tilespmem:s29+$0x3658], $0x1;
	_ =	sdelay $0x1  }
0x2c8: {  	s30 =	simm.s32 $0x1  }
0x2c9: {  	v1 =	vld.msk [tilespmem:s30+$0x3658], $0x1;
	_ =	sdelay $0x1  }
0x2ca: {  	(v2sf) =	vpush v0, $0x0;
	_ =	sdelay $0x2  }
0x2cb: {  	(v2sf) =	vpush v1, $0x0;
	_ =	sdelay $0x2  }
0x2cc: {  	s31 =	simm.s32 $0x2  }
0x2cd: {  	v0 =	vld.msk [tilespmem:s31+$0x3658], $0x1;
	_ =	sdelay $0x2  }
0x2ce: {  	s6 =	simm.s32 $0xFFFFFFFF;
	s1 =	simm.s32 $0xFFFFFFFF;
	s0 =	simm.s32 $0xC  }
.LBB2_23:
0x2cf: {  	s2 =	smov.u32 s6;
	s4 =	smov.u32 s1  }
0x2d0: {  	s1 =	sshra.s32 s0, $0x2;
	p1 =	sne.s32 s0, $0x7C;
	s0 =	sadd.s32 $0x4, s0;
	(v2sf) =	vpush v0, $0x0  }
0x2d1: {  	v0 =	vld.msk [tilespmem:s1+$0x3658], $0x1  }
.Ltmp19:
0x2d2: {  	(pc) =	sbr.rel @p1 .LBB2_23-.Ltmp19, $4  }
0x2d3: {  	s6 =	spop (v2sf)  }
0x2d4: {  	p2 =	sne.s32 s4, $0xFFFFFFFF;
	s1 =	smov.u32 s6  }
0x2d5: {  	p3 =	seq.s32 s6, $0xFFFFFFFF;
	s1 =	smov.u32 @p2 s4  }
0x2d6: {  	s6 =	smov.u32 @p3 s2;
	s1 =	smov.u32 @p3 s4  }
0x2d7: {  	(v2sf) =	vpush v0, $0x0;
	_ =	sdelay $0x8  }
0x2d8: {  	s0 =	spop (v2sf)  }
0x2d9: {  	p1 =	sne.s32 s1, $0xFFFFFFFF;
	s2 =	smov.u32 s0  }
0x2da: {  	s9 =	simm.s32 $0x6;
	p2 =	seq.s32 s0, $0xFFFFFFFF;
	s2 =	smov.u32 @p1 s1  }
0x2db: {  	s10 =	simm.s32 $0x3638;
	s2 =	smov.u32 @p2 s1;
	s1 =	spop (v2sf)  }
0x2dc: {  	s0 =	smov.u32 @p2 s6;
	p1 =	sne.s32 s2, $0xFFFFFFFF;
	s4 =	smov.u32 s1  }
.Ltmp20:
0x2dd: {  	p2 =	seq.s32 s1, $0xFFFFFFFF;
	s4 =	smov.u32 @p1 s2;
	(pc) =	sbr.rel .LBB2_25-.Ltmp20, $4  }
0x2de: {  	s11 =	simm.s32 $0x0;
	s4 =	smov.u32 @p2 s2;
	s7 =	spop (v2sf)  }
0x2df: {  	[sflag:s9] =	ssyncpa.u1 $0x0;
	p1 =	sne.s32 s4, $0xFFFFFFFF;
	s8 =	smov.u32 s7  }
0x2e0: {  	s1 =	smov.u32 @p2 s0;
	p2 =	seq.s32 s7, $0xFFFFFFFF;
	s8 =	smov.u32 @p1 s4  }
0x2e1: {  	s6 =	simm.s32 $0x0;
	s7 =	smov.u32 @p2 s1;
	s8 =	smov.u32 @p2 s4  }
.LBB2_30:
0x2e2: {  	p1 =	sgt.u32 s12, $0x1869FE  }
0x2e3: {  	p2 =	seq.s32 @!p1 s12, s8  }
0x2e4: {  	p1 =	por p1, p2  }
0x2e5: {  	p2 =	sne.s32 @!p1 s12, s7  }
0x2e6: {  	p1 =	por p1, !p2  }
0x2e7: {  	s0 =	sshll.u32 @p1 s11, $0x6  }
0x2e8: {  	s0 =	sand.u32 @!p1 $0x1FFFF8, s12  }
0x2e9: {  	s1 =	sand.u32 @!p1 $0x7, s12;
	s0 =	sadd.s32 @!p1 s3, s0  }
0x2ea: {  	[tilespmem:s10], [sflag:$0x6] =	stream.linear.gather @!p1 [hbm4b:s0+s1], $0x10, $0x38;
	[tilespmem:$0x1F0F8] =	vst v63  }
0x2eb: {  	_ =	swait.ge @!p1 [sflag:s9], $0x10  }
0x2ec: {  	[sflag:s9] =	ssyncset.done @!p1 $0x0  }
0x2ed: {  	[sflag:s9] =	ssyncadd.s32 @!p1 $0xFFFFFFF0  }
0x2ee: {  	v1 =	vld @!p1 [tilespmem:$0x3638];
	_ =	sdelay $0x2  }
0x2ef: {  	s0 =	sshll.u32 @!p1 s11, $0x6  }
0x2f0: {  	s1 =	sshrl.u32 @!p1 s0, $0x2  }
0x2f1: {  	[tilespmem:s1+$0x3678] =	vst.add.f32.msk @!p1 $0xffff, v1  }
0x2f2: {  	s0 =	sshrl.u32 s0, $0x2;
	[tilespmem:s6+$0x3658] =	vst.msk $0x1, v0  }
0x2f3: {  	v0 =	vld [tilespmem:s0+$0x3678];
	_ =	sdelay $0x2  }
0x2f4: {  	s31 =	sshll.u32 s6, $0x6  }
0x2f5: {  	s0 =	sshra.s32 s31, $0x2  }
0x2f6: {  	s6 =	sadd.s32 $0x1, s6;
	[tilespmem:s0+$0x3678] =	vst v0  }
.LBB2_32:
0x2f7: {  	s11 =	sadd.s32 $0x1, s11  }
0x2f8: {  	p1 =	sne.s32 s11, $0x20  }
.Ltmp21:
0x2f9: {  	_ = 	snop;
	(pc) =	sbr.rel @!p1 .LBB2_33-.Ltmp21, $1  }
0x2fa: {  	_ =	sdelay $0x3  }
.LBB2_25:
0x2fb: {  	v0 =	vld.msk [tilespmem:s11+$0x3658], $0x1;
	_ =	sdelay $0x4  }
0x2fc: {  	(v2sf) =	vpush v0, $0x0;
	_ =	sdelay $0xe  }
0x2fd: {  	s12 =	spop (v2sf)  }
0x2fe: {  	p1 =	seq.s32 s12, $0xFFFFFFFF  }
.Ltmp22:
0x2ff: {  	_ = 	snop;
	(pc) =	sbr.rel @p1 .LBB2_32-.Ltmp22, $1  }
0x300: {  	_ =	sdelay $0x3  }
0x301: {  	p1 =	slt.s32 s6, $0x1  }
.Ltmp23:
0x302: {  	_ = 	snop;
	(pc) =	sbr.rel @p1 .LBB2_30-.Ltmp23, $1  }
0x303: {  	_ =	sdelay $0x3  }
0x304: {  	s13 =	simm.s32 $0x3658;
	p1 =	por $0x0, $0x0  }
0x305: {  	v1 =	vld.msk @!p1 [tilespmem:s13+$0x0], $0x1;
	_ =	sdelay $0x4  }
0x306: {  	(v2sf) =	vpush @!p1 v1, $0x0;
	_ =	sdelay $0xd  }
0x307: {  	p3 =	sne.s32 s6, $0x1  }
.Ltmp24:
0x308: {  	s0 =	spop @!p1 (v2sf);
	(pc) =	sbr.rel @!p3 .LBB2_29-.Ltmp24, $4  }
0x309: {  	p2 =	seq.s32 @!p1 s12, s0  }
0x30a: {  	s14 =	simm.s32 $0x0;
	p2 =	por !p2, p1  }
0x30b: {  	s0 =	simm.s32 $0xFFFFFFFF;
	s14 =	simm.s32 @p2 $0xFFFFFFFF  }
0x30c: {  	s15 =	simm.s32 $0x1;
	s14 =	smov.u32 @p1 s0  }
.LBB2_28:
0x30d: {  	s0 =	smov.u32 s14;
	p1 =	sne.s32 s14, $0xFFFFFFFF  }
0x30e: {  	s13 =	sadd.s32 $0x1, s13;
	s14 =	smov.u32 s15;
	s15 =	sadd.s32 $0x1, s15  }
0x30f: {  	p2 =	sne.s32 s6, s15;
	v1 =	vld.msk @!p1 [tilespmem:s13+$0x0], $0x1;
	_ =	sdelay $0x4  }
0x310: {  	(v2sf) =	vpush @!p1 v1, $0x0;
	_ =	sdelay $0xe  }
.Ltmp25:
0x311: {  	s1 =	spop @!p1 (v2sf);
	(pc) =	sbr.rel @p2 .LBB2_28-.Ltmp25, $4  }
0x312: {  	p3 =	seq.s32 @!p1 s12, s1  }
0x313: {  	p3 =	por !p3, p1  }
0x314: {  	s14 =	simm.s32 @p3 $0xFFFFFFFF  }
0x315: {  	s14 =	smov.u32 @p1 s0  }
.LBB2_29:
0x316: {  	p1 =	sne.s32 s14, $0xFFFFFFFF  }
.Ltmp26:
0x317: {  	_ = 	snop;
	(pc) =	sbr.rel @!p1 .LBB2_30-.Ltmp26, $1  }
0x318: {  	_ =	sdelay $0x3  }
0x319: {  	s0 =	sshll.u32 s11, $0x4  }
0x31a: {  	s0 =	sand.u32 $0x3FFFFFF0, s0  }
0x31b: {  	v0 =	vld [tilespmem:s0+$0x3678]  }
.Ltmp27:
0x31c: {  	_ = 	snop;
	(pc) =	sbr.rel .LBB2_32-.Ltmp27, $4  }
0x31d: {  	_ = 	snop  }
0x31e: {  	s31 =	sshll.u32 s14, $0x6  }
0x31f: {  	s0 =	sshra.s32 s31, $0x2  }
0x320: {  	[tilespmem:s0+$0x3678] =	vst.add.f32.msk $0xffff, v0  }
.LBB2_33:
0x321: {  	s0 =	simm.s32 $0x6;
	p1 =	seq.s32 s6, $0x0  }
0x322: {  	[sflag:s0] =	ssyncpa.u1 $0x1;
	v0 =	vimm.s32 @p1 $0xFFFFFFFF  }
0x323: {  	s9 =	sadd.s32 $0xFFFFFFFF, s6;
	[tilespmem:$0x3878] =	vst @p1 v0  }
0x324: {  	v0 =	vld.msk @!p1 [tilespmem:s9+$0x3658], $0x1;
	_ =	sdelay $0x1  }
0x325: {  	v1 =	vld.msk @!p1 [tilespmem:$0x3658], $0x1;
	_ =	sdelay $0x2  }
0x326: {  	p2 =	seq.s32 @!p1 s9, $0x0;
	v0 =	vbroadcast @!p1 v0, $0x0  }
0x327: {  	vm0 =	vmmov @!p1 $0x1;
	p2 =	por !p2, p1  }
0x328: {  	v1 =	vnsel @!p1 vm0, $0xFFFFFFFF, v1;
	vm0 =	vcmask @!p1 $0x308;
	v0 =	vpsel !p2, $0xFFFFFFFF, v0  }
0x329: {  	p2 =	sne.s32 @!p1 s8, s7;
	v0 =	vsel @!p1 vm0, v1, v0  }
0x32a: {  	s0 =	simm.s32 @!p1 $0x3678;
	s1 =	simm.s32 @!p1 $0x0;
	p3 =	por !p2, p1;
	[tilespmem:$0x3878] =	vst @!p1 v0  }
0x32b: {  	[spmem:s1] =	stream.linear.scatter @!p1 [tilespmem:s0], [sflag:$0x1], $0x10, $0x38;
	[tilespmem:$0x1F0F8] =	vst v63  }
0x32c: {  	s0 =	sshll.u32 @!p3 s9, $0x6  }
0x32d: {  	s0 =	sshra.s32 @!p3 s0, $0x2  }
0x32e: {  	s1 =	simm.s32 @!p3 $0x10;
	s0 =	sadd.s32 @!p3 $0x3678, s0  }
0x32f: {  	[spmem:s1] =	stream.linear.scatter @!p3 [tilespmem:s0], [sflag:$0x1], $0x10, $0x38;
	[tilespmem:$0x1F0F8] =	vst v63  }
0x330: {  	s0 =	simm.s32 @!p3 $0x1  }
0x331: {  	_ =	swait.ge @!p3 [sflag:s0], $0x20  }
0x332: {  	p1 =	por p2, p1;
	[sflag:s0] =	ssyncset.done @!p3 $0x0  }
0x333: {  	[sflag:s0] =	ssyncadd.s32 @!p3 $0xFFFFFFE0;
	s0 =	simm.s32 @!p1 $0x1  }
0x334: {  	_ =	swait.ge @!p1 [sflag:s0], $0x10  }
0x335: {  	s29 =	simm.s32 $0x3878;
	[sflag:s0] =	ssyncset.done @!p1 $0x0  }
0x336: {  	s30 =	simm.s32 $0x200;
	s31 =	simm.s32 $0x1;
	[sflag:s0] =	ssyncadd.s32 @!p1 $0xFFFFFFF0  }
0x337: {  	[spmem:s30] =	stream.linear.scatter [tilespmem:s29], [sflag:$0x1], $0x10, $0x38;
	[tilespmem:$0x1F0F8] =	vst v63  }
0x338: {  	_ =	swait.ge [sflag:s31], $0x10  }
0x339: {  	[sflag:s31] =	ssyncset.done $0x0  }
0x33a: {  	p1 =	seq.s32 s17, $0x0;
	s8 =	rddreg [dreg:$0x1];
	[sflag:s31] =	ssyncadd.s32 $0xFFFFFFF0  }
0x33b: {  	s1 =	sshll.u32 @p1 s8, $0xE;
	s7 =	rddreg [dreg:$0x2]  }
0x33c: {  	s0 =	sadd.s32 @p1 $0x15C3C, s1;
	s1 =	sshll.u32 @p1 s7, $0x11  }
0x33d: {  	_ =	sfence.stream.spmem;
	s0 =	sor.u32 @p1 s1, s0  }
0x33e: {  	[sflag:s0] =	ssyncadd.remote.s32 @p1 $0x1;
	s0 =	simm.s32 @p1 $0x4  }
0x33f: {  	s2 =	simm.s32 @!p1 $0x3C;
	s1 =	sand.u32 $0xFFFFFFFE, s8;
	_ =	swait.ge @p1 [sflag:s0], $0x6  }
0x340: {  	s4 =	simm.s32 @!p1 $0x0;
	s1 =	sadd.s32 @!p1 $0x4, s1;
	[sflag:s0] =	ssyncset.done @p1 $0x0  }
0x341: {  	s5 =	simm.s32 @!p1 $0x20;
	[sflag:s0] =	ssyncadd.s32 @p1 $0xFFFFFFFA;
	s0 =	sshll.u32 @!p1 s1, $0x1A  }
0x342: {  	s1 =	sshll.u32 @!p1 s1, $0xD;
	s0 =	sor.u32 @!p1 s0, s7;
	_ =	swait.eq @!p1 [sflag:s2], $0x1  }
0x343: {  	s1 =	sor.u32 @!p1 $0x1C04, s1;
	s2 =	simm.s32 @!p1 $0x1C03;
	s0 =	sor.u32 @!p1 $0x80004000, s0  }
0x344: {  	[spmem:s5], [sflag:s1] =	dma.general @!p1 [spmem:s4], [sflag:s2], length:$0x4, [dreg:$0x0], stride_count:$0x0, ici_dest:s0, dma_misc:DstOpCode:WRITE  }
0x345: {  	p2 =	slt.s32 s9, $0x2;
	s4 =	simm.s32 @!p1 $0x40;
	s5 =	simm.s32 @!p1 $0x42  }
0x346: {  	[spmem:s5], [sflag:s1] =	dma.general @!p1 [spmem:s4], [sflag:s2], length:$0x2, [dreg:$0x0], stride_count:$0x0, ici_dest:s0, dma_misc:DstOpCode:WRITE  }
.Ltmp28:
0x347: {  	s0 =	simm.s32 @!p1 $0x3;
	(pc) =	sbr.rel @p2 .LBB2_37-.Ltmp28, $4  }
0x348: {  	s1 =	sshll.u32 @!p1 s8, $0xE;
	_ =	swait.ge @!p1 [sflag:s0], $0x6  }
0x349: {  	s2 =	sshll.u32 @!p1 s7, $0x11;
	s1 =	sadd.s32 @!p1 $0x11C3C, s1;
	[sflag:s0] =	ssyncset.done @!p1 $0x0  }
0x34a: {  	[sflag:s0] =	ssyncadd.s32 @!p1 $0xFFFFFFFA;
	s0 =	sor.u32 @!p1 s2, s1  }
0x34b: {  	[sflag:s0] =	ssyncadd.remote.s32 @!p1 $0xFFFFFFFF;
	s0 =	simm.s32 $0x0  }
0x34c: {  	s0 =	simm.s32 $0x3659  }
0x34d: {  	v0 =	vld.msk [tilespmem:s0+$0x0], $0x1;
	_ =	sdelay $0x4  }
0x34e: {  	(v2sf) =	vpush v0, $0x0;
	_ =	sdelay $0xd  }
0x34f: {  	s2 =	sadd.s32 $0xFFFFFFFE, s6  }
0x350: {  	s2 =	sadd.s32 $0xFFFFFFFF, s2;
	s0 =	spop (v2sf)  }
0x351: {  	p2 =	sne.s32 s2, $0x0;
	p1 =	sgt.u32 s0, $0x1869FE  }
.Ltmp29:
0x352: {  	s4 =	sand.u32 @!p1 $0x1FFFF8, s0;
	(pc) =	sbr.rel @!p2 .LBB2_36-.Ltmp29, $4  }
0x353: {  	s1 =	simm.s32 $0x3688;
	s0 =	sand.u32 @!p1 $0x7, s0;
	s4 =	sadd.s32 @!p1 s3, s4  }
0x354: {  	[hbm4b:s4+s0] =	stream.linear.scatter @!p1 [tilespmem:s1], [sflag:$0x5], $0x10, $0x38;
	[tilespmem:$0x1F0F8] =	vst v63  }
0x355: {  	s0 =	simm.s32 $0x0  }
0x356: {  	s6 =	simm.s32 $0x0;
	s7 =	simm.s32 $0x365A;
	s0 =	simm.s32 @!p1 $0x40  }
.LBB2_35:
0x357: {  	v0 =	vld.msk [tilespmem:s7+$0x0], $0x1;
	s2 =	sadd.s32 $0xFFFFFFFF, s2;
	s6 =	sadd.s32 s6, s0  }
0x358: {  	p1 =	sne.s32 s2, $0x0;
	_ =	sdelay $0x3  }
0x359: {  	(v2sf) =	vpush v0, $0x0;
	_ =	sdelay $0xe  }
.Ltmp30:
0x35a: {  	s4 =	spop (v2sf);
	(pc) =	sbr.rel @p1 .LBB2_35-.Ltmp30, $4  }
0x35b: {  	s0 =	simm.s32 $0x0;
	p2 =	sgt.u32 s4, $0x1869FE  }
0x35c: {  	s1 =	sadd.s32 $0x10, s1;
	s0 =	simm.s32 @!p2 $0x40;
	s5 =	sand.u32 @!p2 $0x1FFFF8, s4  }
0x35d: {  	s7 =	sadd.s32 $0x1, s7;
	s4 =	sand.u32 @!p2 $0x7, s4;
	s5 =	sadd.s32 @!p2 s3, s5  }
0x35e: {  	[hbm4b:s5+s4] =	stream.linear.scatter @!p2 [tilespmem:s1], [sflag:$0x5], $0x10, $0x38;
	[tilespmem:$0x1F0F8] =	vst v63  }
.LBB2_36:
0x35f: {  	s0 =	sadd.s32 s6, s0  }
0x360: {  	s0 =	sshrl.u32 s0, $0x2  }
.LBB2_37:
0x361: {  	s1 =	simm.s32 $0x5  }
0x362: {  	_ =	swait.ge [sflag:s1], s0  }
0x363: {  	s31 =	ssub.s32 $0x0, s0;
	[sflag:s1] =	ssyncset.done $0x0  }
0x364: {  	[sflag:s1] =	ssyncadd.s32 s31  }
0x365: {  	[sflag:s1] =	ssyncpa.u1 $0x1  }
.LBB2_38:
0x366: {  	s0 =	sor.u32 s17, s16  }
0x367: {  	p1 =	sne.s32 s0, $0x0  }
.Ltmp31:
0x368: {  	_ = 	snop;
	(pc) =	sbr.rel @p1 .LBB2_53-.Ltmp31, $3  }
0x369: {  	_ =	sdelay $0x1  }
0x36a: {  	[bflag:$0x0] =	sbarrier.arrive $0xFFFF  }
0x36b: {  	_ =	sfence  }
0x36c: {  	s0 =	simm.s32 $0x7  }
0x36d: {  	s1 =	simm.s32 $0x200;
	s2 =	simm.s32 $0x3658;
	[sflag:s0] =	ssyncpa.u1 $0x0  }
0x36e: {  	[tilespmem:s2], [sflag:$0x7] =	stream.linear.gather [spmem:s1], $0x20, $0x38;
	[tilespmem:$0x1F0F8] =	vst v63  }
0x36f: {  	s30 =	simm.s32 $0x3678;
	s1 =	simm.s32 $0x0  }
0x370: {  	[tilespmem:s30], [sflag:$0x7] =	stream.linear.gather [spmem:s1], $0x200, $0x38;
	[tilespmem:$0x1F0F8] =	vst v63  }
.Ltmp32:
0x371: {  	_ = 	snop;
	(pc) =	sbr.rel .LBB2_40-.Ltmp32, $4  }
0x372: {  	_ =	swait.ge [sflag:s0], $0x220  }
0x373: {  	[sflag:s0] =	ssyncset.done $0x0  }
0x374: {  	s31 =	simm.s32 $0x8;
	[sflag:s0] =	ssyncadd.s32 $0xFFFFFDE0  }
0x375: {  	s2 =	simm.s32 $0x0;
	[sflag:s31] =	ssyncpa.u1 $0x0  }
.LBB2_45:
0x376: {  	p1 =	slt.u32 s4, $0x1869FF  }
0x377: {  	s0 =	sand.u32 @p1 $0x1FFFF8, s4  }
0x378: {  	s4 =	sand.u32 @p1 $0x7, s4;
	s5 =	simm.s32 @p1 $0x3638;
	s0 =	sadd.s32 @p1 s3, s0  }
0x379: {  	[tilespmem:s5], [sflag:$0x8] =	stream.linear.gather @p1 [hbm4b:s0+s4], $0x10, $0x38;
	[tilespmem:$0x1F0F8] =	vst v63  }
0x37a: {  	s0 =	simm.s32 @p1 $0x8  }
0x37b: {  	_ =	swait.ge @p1 [sflag:s0], $0x10  }
0x37c: {  	[sflag:s0] =	ssyncset.done @p1 $0x0  }
0x37d: {  	[sflag:s0] =	ssyncadd.s32 @p1 $0xFFFFFFF0  }
0x37e: {  	v1 =	vld @p1 [tilespmem:$0x3638];
	_ =	sdelay $0x2  }
0x37f: {  	s0 =	sshll.u32 @p1 s2, $0x6  }
0x380: {  	s5 =	sshll.u32 @!p1 s2, $0x6;
	s4 =	sshrl.u32 @p1 s0, $0x2  }
0x381: {  	s5 =	smov.u32 @p1 s0;
	[tilespmem:s4+$0x3678] =	vst.add.f32.msk @p1 $0xffff, v1  }
0x382: {  	s0 =	sshrl.u32 s5, $0x2;
	[tilespmem:s1+$0x3658] =	vst.msk $0x1, v0  }
0x383: {  	v0 =	vld [tilespmem:s0+$0x3678];
	_ =	sdelay $0x2  }
0x384: {  	s31 =	sshll.u32 s1, $0x6  }
0x385: {  	s0 =	sshra.s32 s31, $0x2  }
0x386: {  	s1 =	sadd.s32 $0x1, s1;
	[tilespmem:s0+$0x3678] =	vst v0  }
.LBB2_47:
0x387: {  	s2 =	sadd.s32 $0x1, s2  }
0x388: {  	p1 =	sne.s32 s2, $0x20  }
.Ltmp33:
0x389: {  	_ = 	snop;
	(pc) =	sbr.rel @!p1 .LBB2_48-.Ltmp33, $1  }
0x38a: {  	_ =	sdelay $0x3  }
.LBB2_40:
0x38b: {  	v0 =	vld.msk [tilespmem:s2+$0x3658], $0x1;
	_ =	sdelay $0x4  }
0x38c: {  	(v2sf) =	vpush v0, $0x0;
	_ =	sdelay $0xe  }
0x38d: {  	s4 =	spop (v2sf)  }
0x38e: {  	p1 =	seq.s32 s4, $0xFFFFFFFF  }
.Ltmp34:
0x38f: {  	_ = 	snop;
	(pc) =	sbr.rel @p1 .LBB2_47-.Ltmp34, $1  }
0x390: {  	_ =	sdelay $0x3  }
0x391: {  	p1 =	slt.s32 s1, $0x1  }
.Ltmp35:
0x392: {  	_ = 	snop;
	(pc) =	sbr.rel @p1 .LBB2_45-.Ltmp35, $1  }
0x393: {  	_ =	sdelay $0x3  }
0x394: {  	s5 =	simm.s32 $0x3658;
	p1 =	por $0x0, $0x0  }
0x395: {  	v1 =	vld.msk @!p1 [tilespmem:s5+$0x0], $0x1;
	_ =	sdelay $0x4  }
0x396: {  	(v2sf) =	vpush @!p1 v1, $0x0;
	_ =	sdelay $0xd  }
0x397: {  	p3 =	sne.s32 s1, $0x1  }
.Ltmp36:
0x398: {  	s0 =	spop @!p1 (v2sf);
	(pc) =	sbr.rel @!p3 .LBB2_44-.Ltmp36, $4  }
0x399: {  	p2 =	seq.s32 @!p1 s4, s0  }
0x39a: {  	s6 =	simm.s32 $0x0;
	p2 =	por !p2, p1  }
0x39b: {  	s0 =	simm.s32 $0xFFFFFFFF;
	s6 =	simm.s32 @p2 $0xFFFFFFFF  }
0x39c: {  	s7 =	simm.s32 $0x1;
	s6 =	smov.u32 @p1 s0  }
.LBB2_43:
0x39d: {  	s0 =	smov.u32 s6;
	p1 =	sne.s32 s6, $0xFFFFFFFF  }
0x39e: {  	s5 =	sadd.s32 $0x1, s5;
	s6 =	smov.u32 s7;
	s7 =	sadd.s32 $0x1, s7  }
0x39f: {  	p2 =	sne.s32 s1, s7;
	v1 =	vld.msk @!p1 [tilespmem:s5+$0x0], $0x1;
	_ =	sdelay $0x4  }
0x3a0: {  	(v2sf) =	vpush @!p1 v1, $0x0;
	_ =	sdelay $0xe  }
.Ltmp37:
0x3a1: {  	s8 =	spop @!p1 (v2sf);
	(pc) =	sbr.rel @p2 .LBB2_43-.Ltmp37, $4  }
0x3a2: {  	p3 =	seq.s32 @!p1 s4, s8  }
0x3a3: {  	p3 =	por !p3, p1  }
0x3a4: {  	s6 =	simm.s32 @p3 $0xFFFFFFFF  }
0x3a5: {  	s6 =	smov.u32 @p1 s0  }
.LBB2_44:
0x3a6: {  	p1 =	sne.s32 s6, $0xFFFFFFFF  }
.Ltmp38:
0x3a7: {  	_ = 	snop;
	(pc) =	sbr.rel @!p1 .LBB2_45-.Ltmp38, $1  }
0x3a8: {  	_ =	sdelay $0x3  }
0x3a9: {  	s0 =	sshll.u32 s2, $0x4  }
0x3aa: {  	s0 =	sand.u32 $0x3FFFFFF0, s0  }
0x3ab: {  	v0 =	vld [tilespmem:s0+$0x3678]  }
.Ltmp39:
0x3ac: {  	_ = 	snop;
	(pc) =	sbr.rel .LBB2_47-.Ltmp39, $4  }
0x3ad: {  	_ = 	snop  }
0x3ae: {  	s31 =	sshll.u32 s6, $0x6  }
0x3af: {  	s0 =	sshra.s32 s31, $0x2  }
0x3b0: {  	[tilespmem:s0+$0x3678] =	vst.add.f32.msk $0xffff, v0  }
.LBB2_48:
0x3b1: {  	p1 =	slt.s32 s1, $0x1  }
.Ltmp40:
0x3b2: {  	_ = 	snop;
	(pc) =	sbr.rel @p1 .LBB2_52-.Ltmp40, $3  }
0x3b3: {  	_ =	sdelay $0x1  }
0x3b4: {  	s0 =	simm.s32 $0x8  }
0x3b5: {  	s2 =	simm.s32 $0x0;
	[sflag:s0] =	ssyncpa.u1 $0x1  }
0x3b6: {  	s0 =	simm.s32 $0x3658  }
0x3b7: {  	v0 =	vld.msk [tilespmem:s0+$0x0], $0x1;
	_ =	sdelay $0x4  }
0x3b8: {  	(v2sf) =	vpush v0, $0x0;
	_ =	sdelay $0xe  }
0x3b9: {  	s1 =	sadd.s32 $0xFFFFFFFF, s1;
	s0 =	spop (v2sf)  }
0x3ba: {  	p2 =	sne.s32 s1, $0x0;
	p1 =	sgt.u32 s0, $0x1869FE  }
.Ltmp41:
0x3bb: {  	s5 =	sand.u32 @!p1 $0x1FFFF8, s0;
	(pc) =	sbr.rel @!p2 .LBB2_51-.Ltmp41, $4  }
0x3bc: {  	s4 =	simm.s32 $0x3678;
	s0 =	sand.u32 @!p1 $0x7, s0;
	s5 =	sadd.s32 @!p1 s3, s5  }
0x3bd: {  	[hbm4b:s5+s0] =	stream.linear.scatter @!p1 [tilespmem:s4], [sflag:$0x7], $0x10, $0x38;
	[tilespmem:$0x1F0F8] =	vst v63  }
0x3be: {  	s0 =	simm.s32 $0x0  }
0x3bf: {  	s5 =	simm.s32 $0x3659;
	s0 =	simm.s32 @!p1 $0x40  }
.LBB2_50:
0x3c0: {  	v0 =	vld.msk [tilespmem:s5+$0x0], $0x1;
	s1 =	sadd.s32 $0xFFFFFFFF, s1;
	s2 =	sadd.s32 s2, s0  }
0x3c1: {  	p1 =	sne.s32 s1, $0x0;
	_ =	sdelay $0x3  }
0x3c2: {  	(v2sf) =	vpush v0, $0x0;
	_ =	sdelay $0xe  }
.Ltmp42:
0x3c3: {  	s6 =	spop (v2sf);
	(pc) =	sbr.rel @p1 .LBB2_50-.Ltmp42, $4  }
0x3c4: {  	s0 =	simm.s32 $0x0;
	p2 =	sgt.u32 s6, $0x1869FE  }
0x3c5: {  	s4 =	sadd.s32 $0x10, s4;
	s0 =	simm.s32 @!p2 $0x40;
	s7 =	sand.u32 @!p2 $0x1FFFF8, s6  }
0x3c6: {  	s5 =	sadd.s32 $0x1, s5;
	s6 =	sand.u32 @!p2 $0x7, s6;
	s7 =	sadd.s32 @!p2 s3, s7  }
0x3c7: {  	[hbm4b:s7+s6] =	stream.linear.scatter @!p2 [tilespmem:s4], [sflag:$0x7], $0x10, $0x38;
	[tilespmem:$0x1F0F8] =	vst v63  }
.LBB2_51:
0x3c8: {  	s0 =	sadd.s32 s2, s0  }
0x3c9: {  	s2 =	sshrl.u32 s0, $0x2  }
.LBB2_52:
0x3ca: {  	s0 =	simm.s32 $0x7  }
0x3cb: {  	_ =	swait.ge [sflag:s0], s2  }
0x3cc: {  	s1 =	ssub.s32 $0x0, s2;
	[sflag:s0] =	ssyncset.done $0x0  }
0x3cd: {  	[sflag:s0] =	ssyncadd.s32 s1  }
0x3ce: {  	[sflag:s0] =	ssyncpa.u1 $0x1  }
.LBB2_53:
0x3cf: {  	_ =	sfence;
	s0 =	simm.s32 $0x1  }
0x3d0: {  	[sflag:s0] =	ssyncpa.u1 $0x1  }
0x3d1: {  	_ =	strace $0x9000004A  }
0x3d2: {  	[bflag:$0x2] =	sbarrier.arrive $0xFFFF  }
0x3d3: {  	s0 =	rddreg [dreg:$0x3]  }
0x3d4: {  	s0 =	sadd.s32 @!p0 $0x100000, s0  }
0x3d5: {  	[sflag:s0] =	ssyncadd.tile.s32 @!p0 $0x1;
	_ =	shalt  }
.Lfunc_end2:
_tile_overlayer_lowered:
.L_overlay_start_2:
0x3d6: {  	(tag) =	ssettag $0x2  }
0x3d7: {  	s0 =	rddreg [dreg:$0x0];
	s2 =	stileid.u32  }
0x3d8: {  	s1 =	rddreg [dreg:$0x1];
	p0 =	sne.s32 s2, $0x0  }
0x3d9: {  	s3 =	rddreg [dreg:$0x2];
	[bflag:$0x3] =	sbarrier.arrive $0xFFFF;
	s2 =	simm.s32 @!p0 $0x1C01  }
0x3da: {  	[timem:s3], [sflag:s2] =	dma.local @!p0 [hbm:s0], s1  }
0x3db: {  	s0 =	simm.s32 @!p0 $0x1  }
0x3dc: {  	_ =	swait.ge @!p0 [sflag:s0], s1  }
0x3dd: {  	s1 =	ssub.s32 @!p0 $0x0, s1;
	[sflag:s0] =	ssyncset.done @!p0 $0x0  }
0x3de: {  	[sflag:s0] =	ssyncadd.s32 @!p0 s1  }
0x3df: {  	[bflag:$0x3] =	sbarrier.arrive $0xFFFF  }
0x3e0: {  	_ =	shalt  }

</sc_bundles>
